<compile_context>
chip_gen: v7x
topology: tpu7x:2x2x1
jax: 0.10.2.dev20260603
libtpu: 0.0.44.dev20260713+nightly
codegen_flags: <defaults>
</compile_context>

<pallas_src>
import functools

import jax
import jax.numpy as jnp
from jax import lax
from jax.experimental import pallas as pl
from jax.experimental.pallas import tpu as pltpu
from jax.experimental.pallas import tpu_sc as plsc

N = 10000
E = 320000
D = 128

NC = 2
NS = 16

CHUNK = 32
SLAB = 2
NCH = 640
NSLAB = NCH // SLAB
E_PAD = NS * NCH * CHUNK

HALF = 5000
ACC_ROWS = 5120
DUMP_BASE = 5056
ACC_PER_TILE = ACC_ROWS // NS
X_PER_TILE = 632


def _sc_body(x_hbm, col_hbm, row0_hbm, row1_hbm, acc_hbm,
             colA, rowA, colB, rowB, b0, b1, xs, acc_s,
             sg0, sg1, si0, si1):
    cid = lax.axis_index("c")
    sid = lax.axis_index("s")

    xbase = sid * X_PER_TILE

    @pl.when(sid < NS - 1)
    def _():
        pltpu.sync_copy(x_hbm.at[pl.ds(xbase, X_PER_TILE)],
                        xs.at[pl.ds(xbase, X_PER_TILE)])

    @pl.when(sid == NS - 1)
    def _():
        pltpu.sync_copy(x_hbm.at[pl.ds((NS - 1) * X_PER_TILE, 520)],
                        xs.at[pl.ds((NS - 1) * X_PER_TILE, 520)])

    z16 = jnp.zeros((16,), jnp.float32)

    def zloop(i, c):
        r = i // (D // 16)
        cc = (i % (D // 16)) * 16
        b0[r, pl.ds(cc, 16)] = z16
        return c

    lax.fori_loop(0, CHUNK * (D // 16), zloop, 0)
    abase = sid * ACC_PER_TILE
    for k in range(ACC_PER_TILE // CHUNK):
        pltpu.sync_copy(b0, acc_s.at[pl.ds(abase + k * CHUNK, CHUNK)])

    plsc.subcore_barrier()

    def run(row_hbm):
        pltpu.sync_copy(col_hbm.at[sid, pl.ds(0, SLAB)], colA)
        pltpu.sync_copy(row_hbm.at[sid, pl.ds(0, SLAB)], rowA)
        pltpu.async_copy(col_hbm.at[sid, pl.ds(SLAB, SLAB)], colB, si1)
        pltpu.async_copy(row_hbm.at[sid, pl.ds(SLAB, SLAB)], rowB, si1)
        pltpu.async_copy(xs.at[colA.at[0]], b0, sg0)
        pltpu.async_copy(xs.at[colA.at[1]], b1, sg1)

        def pair(s2, carry):
            nA = (2 * s2 + 2) * SLAB
            nB = (2 * s2 + 3) * SLAB
            pltpu.make_async_copy(xs.at[colA.at[0]], b0, sg0).wait()
            pltpu.sync_copy(b0, acc_s.at[rowA.at[0]], add=True)
            pltpu.make_async_copy(col_hbm.at[sid, pl.ds(nB - 2 * SLAB, SLAB)],
                                  colB, si1).wait()
            pltpu.make_async_copy(row_hbm.at[sid, pl.ds(nB - 2 * SLAB, SLAB)],
                                  rowB, si1).wait()
            pltpu.async_copy(xs.at[colB.at[0]], b0, sg0)
            pltpu.make_async_copy(xs.at[colA.at[1]], b1, sg1).wait()
            pltpu.sync_copy(b1, acc_s.at[rowA.at[1]], add=True)
            pltpu.async_copy(xs.at[colB.at[1]], b1, sg1)
            pltpu.async_copy(col_hbm.at[sid, pl.ds(nA, SLAB)], colA, si0)
            pltpu.async_copy(row_hbm.at[sid, pl.ds(nA, SLAB)], rowA, si0)
            pltpu.make_async_copy(xs.at[colB.at[0]], b0, sg0).wait()
            pltpu.sync_copy(b0, acc_s.at[rowB.at[0]], add=True)
            pltpu.make_async_copy(col_hbm.at[sid, pl.ds(nA, SLAB)],
                                  colA, si0).wait()
            pltpu.make_async_copy(row_hbm.at[sid, pl.ds(nA, SLAB)],
                                  rowA, si0).wait()
            pltpu.async_copy(xs.at[colA.at[0]], b0, sg0)
            pltpu.make_async_copy(xs.at[colB.at[1]], b1, sg1).wait()
            pltpu.sync_copy(b1, acc_s.at[rowB.at[1]], add=True)
            pltpu.async_copy(xs.at[colA.at[1]], b1, sg1)
            pltpu.async_copy(col_hbm.at[sid, pl.ds(nB, SLAB)], colB, si1)
            pltpu.async_copy(row_hbm.at[sid, pl.ds(nB, SLAB)], rowB, si1)
            return carry

        lax.fori_loop(0, NSLAB // 2 - 1, pair, 0)

        pltpu.make_async_copy(xs.at[colA.at[0]], b0, sg0).wait()
        pltpu.sync_copy(b0, acc_s.at[rowA.at[0]], add=True)
        pltpu.make_async_copy(
            col_hbm.at[sid, pl.ds((NSLAB - 1) * SLAB, SLAB)], colB, si1).wait()
        pltpu.make_async_copy(
            row_hbm.at[sid, pl.ds((NSLAB - 1) * SLAB, SLAB)], rowB, si1).wait()
        pltpu.async_copy(xs.at[colB.at[0]], b0, sg0)
        pltpu.make_async_copy(xs.at[colA.at[1]], b1, sg1).wait()
        pltpu.sync_copy(b1, acc_s.at[rowA.at[1]], add=True)
        pltpu.async_copy(xs.at[colB.at[1]], b1, sg1)
        pltpu.make_async_copy(xs.at[colB.at[0]], b0, sg0).wait()
        pltpu.sync_copy(b0, acc_s.at[rowB.at[0]], add=True)
        pltpu.make_async_copy(xs.at[colB.at[1]], b1, sg1).wait()
        pltpu.sync_copy(b1, acc_s.at[rowB.at[1]], add=True)

    @pl.when(cid == 0)
    def _():
        run(row0_hbm)

    @pl.when(cid == 1)
    def _():
        run(row1_hbm)

    plsc.subcore_barrier()

    pltpu.sync_copy(acc_s.at[pl.ds(abase, ACC_PER_TILE)],
                    acc_hbm.at[cid, pl.ds(abase, ACC_PER_TILE)])


_sc_spmm = functools.partial(
    pl.kernel,
    out_type=jax.ShapeDtypeStruct((NC, ACC_ROWS, D), jnp.float32),
    mesh=plsc.VectorSubcoreMesh(core_axis_name="c", subcore_axis_name="s"),
    scratch_types=[
        pltpu.VMEM((SLAB, CHUNK), jnp.int32),
        pltpu.VMEM((SLAB, CHUNK), jnp.int32),
        pltpu.VMEM((SLAB, CHUNK), jnp.int32),
        pltpu.VMEM((SLAB, CHUNK), jnp.int32),
        pltpu.VMEM((CHUNK, D), jnp.float32),
        pltpu.VMEM((CHUNK, D), jnp.float32),
        pltpu.VMEM_SHARED((N, D), jnp.float32),
        pltpu.VMEM_SHARED((ACC_ROWS, D), jnp.float32),
        pltpu.SemaphoreType.DMA,
        pltpu.SemaphoreType.DMA,
        pltpu.SemaphoreType.DMA,
        pltpu.SemaphoreType.DMA,
    ],
)(_sc_body)


def _tc_finalize_body(x_ref, acc_ref, wz_ref, wf_ref, o_ref):
    wz = jnp.maximum(wz_ref[0, 0], 0.0)
    wf = jnp.maximum(wf_ref[0, 0], 0.0)
    tot = wz + wf + 1e-6
    ctx = acc_ref[0]
    o_ref[...] = (wz / tot) * x_ref[...] + (wf / tot) * ctx


def _tc_finalize(x, acc, wz, wf):
    br = 1000
    grid = (N // br,)
    return pl.pallas_call(
        _tc_finalize_body,
        out_shape=jax.ShapeDtypeStruct((N, D), jnp.float32),
        grid=grid,
        in_specs=[
            pl.BlockSpec((br, D), lambda i: (i, 0)),
            pl.BlockSpec((1, br, D), lambda i: (i // 5, i % 5, 0)),
            pl.BlockSpec((1, 1), lambda i: (0, 0)),
            pl.BlockSpec((1, 1), lambda i: (0, 0)),
        ],
        out_specs=pl.BlockSpec((br, D), lambda i: (i, 0)),
    )(x, acc, wz, wf)


def kernel(index_vectors, edge_index, w_zeroth, w_fst):
    row = edge_index[0]
    col = edge_index[1]
    pad = E_PAD - E
    padc = (jnp.arange(pad, dtype=jnp.int32) * 37) % N
    dump = DUMP_BASE + (jnp.arange(E, dtype=jnp.int32) % (ACC_ROWS - DUMP_BASE))
    dumpp = DUMP_BASE + (jnp.arange(pad, dtype=jnp.int32) % (ACC_ROWS - DUMP_BASE))
    col_p = jnp.concatenate([col, padc]).reshape(NS, NCH, CHUNK)
    row0 = jnp.concatenate(
        [jnp.where(row < HALF, row, dump), dumpp]).reshape(NS, NCH, CHUNK)
    row1 = jnp.concatenate(
        [jnp.where(row >= HALF, row - HALF, dump), dumpp]).reshape(NS, NCH, CHUNK)
    acc = _sc_spmm(index_vectors, col_p, row0, row1)
    return _tc_finalize(index_vectors, acc, w_zeroth, w_fst)

# --- scband reference (transcript-rebuilt; emitter-appended) ---
"""Pipeline reference for scband-rilayer-51513837748926 (READ-ONLY COPY).

The authoritative reference and input builder live on the scoring server;
editing this copy changes nothing except your own understanding.
"""

import jax, jax.numpy as jnp
import numpy as np

N = 10000
E = 320000
D = 128


def setup_inputs(seed: int = 0) -> dict:
    key = jax.random.key(seed)
    k1, k2, k3 = jax.random.split(key, 3)
    index_vectors = jax.random.normal(k1, (N, D), dtype=jnp.float32)
    edge_index = jax.random.randint(k2, (2, E), 0, N, dtype=jnp.int32)
    # learned scalar order weights (depth=1): zeroth initialized to 1.0,
    # fst is an nn.Embedding(1,1) weight (default normal init)
    w_zeroth = jnp.ones((1, 1), dtype=jnp.float32)
    w_fst = jax.random.normal(k3, (1, 1), dtype=jnp.float32)
    return {
        "index_vectors": index_vectors,
        "edge_index": edge_index,
        "w_zeroth": w_zeroth,
        "w_fst": w_fst,
    }


def reference(index_vectors, edge_index, w_zeroth, w_fst):
    # sparse adjacency spmm: out[i] = sum_{(i,j) in E} x[j]
    row = edge_index[0]
    col = edge_index[1]
    fst_context = jax.ops.segment_sum(jnp.take(index_vectors, col, axis=0), row, num_segments=N)
    # get_orders: relu + normalize (depth=1 => snd/trd are zeros, non-learned)
    zeroth = jax.nn.relu(w_zeroth)
    fst = jax.nn.relu(w_fst)
    snd = jax.nn.relu(jnp.zeros((1, 1), dtype=jnp.float32))
    trd = jax.nn.relu(jnp.zeros((1, 1), dtype=jnp.float32))
    tot = zeroth + fst + snd + trd + 1e-06
    zeroth = zeroth / tot
    fst = fst / tot
    snd = snd / tot
    trd = trd / tot
    # use_sign=False branch; snd/trd contexts are 0.0 scalars at depth=1
    embedding = zeroth * index_vectors + fst * fst_context + snd * 0.0 + trd * 0.0
    return embedding

if __name__ == "__main__":
    import jax
    _d = setup_inputs()
    print(jax.jit(kernel)(*tuple(_d.values())))

</pallas_src>

<mosaic_0001>
#map = affine_map<(d0, d1) -> (0, 0)>
#map1 = affine_map<(d0, d1) -> (0, 0, 0)>
module attributes {stable_mosaic.version = 14 : i64} {
  func.func @_sc_body(%arg0: i32, %arg1: i32, %arg2: memref<10000x128xf32, #tpu.memory_space<hbm>>, %arg3: memref<16x640x32xi32, #tpu.memory_space<hbm>>, %arg4: memref<16x640x32xi32, #tpu.memory_space<hbm>>, %arg5: memref<16x640x32xi32, #tpu.memory_space<hbm>>, %arg6: memref<2x5120x128xf32, #tpu.memory_space<hbm>>, %arg7: memref<2x32xi32, #tpu.memory_space<vmem>>, %arg8: memref<2x32xi32, #tpu.memory_space<vmem>>, %arg9: memref<2x32xi32, #tpu.memory_space<vmem>>, %arg10: memref<2x32xi32, #tpu.memory_space<vmem>>, %arg11: memref<32x128xf32, #tpu.memory_space<vmem>>, %arg12: memref<32x128xf32, #tpu.memory_space<vmem>>, %arg13: memref<10000x128xf32, #tpu.memory_space<vmem_shared>>, %arg14: memref<5120x128xf32, #tpu.memory_space<vmem_shared>>, %arg15: memref<!tpu.dma_semaphore, #tpu.memory_space<semaphore_mem>>, %arg16: memref<!tpu.dma_semaphore, #tpu.memory_space<semaphore_mem>>, %arg17: memref<!tpu.dma_semaphore, #tpu.memory_space<semaphore_mem>>, %arg18: memref<!tpu.dma_semaphore, #tpu.memory_space<semaphore_mem>>) attributes {dimension_semantics = [#tpu.dimension_semantics<core_parallel>, #tpu.dimension_semantics<subcore_parallel>], iteration_bounds = array<i64: 2, 16>, scalar_prefetch = 0 : i64, scratch_operands = 12 : i64, tpu.core_type = #tpu.core_type<sc_vector_subcore>, window_params = [{transform_indices = #map}, {transform_indices = #map1}, {transform_indices = #map1}, {transform_indices = #map1}, {transform_indices = #map1}]} {
    %mul3A = arith.constant 632 : i32
    %mul3A_0 = arith.muli %arg1, %mul3A : i32
    %lt3A = arith.constant 15 : i32
    %lt3A_1 = arith.cmpi slt, %arg1, %lt3A : i32
    %convert_element_type3A = arith.extui %lt3A_1 : i1 to i32
    %cond3A = arith.constant 0 : i32
    %cond3A_2 = arith.cmpi ne, %convert_element_type3A, %cond3A : i32
    scf.if %cond3A_2 {
      "tpu.region"() ({
        %run_scoped3A = tpu.sem_alloc : memref<!tpu.dma_semaphore, #tpu.memory_space<semaphore_mem>>
        %dma_start3A = arith.constant 0 : i32
        %dma_start3A_45 = tpu.memref_slice %arg13[%mul3A_0, %dma_start3A] : memref<10000x128xf32, #tpu.memory_space<vmem_shared>> -> memref<632x128xf32, #tpu.memory_space<vmem_shared>>
        %dma_start3A_46 = arith.constant 0 : i32
        %dma_start3A_47 = tpu.memref_slice %arg2[%mul3A_0, %dma_start3A_46] : memref<10000x128xf32, #tpu.memory_space<hbm>> -> memref<632x128xf32, #tpu.memory_space<hbm>>
        tpu.enqueue_dma source(%dma_start3A_47 : memref<632x128xf32, #tpu.memory_space<hbm>>) target(%dma_start3A_45 : memref<632x128xf32, #tpu.memory_space<vmem_shared>>) target_semaphore(%run_scoped3A : memref<!tpu.dma_semaphore, #tpu.memory_space<semaphore_mem>>)
        %dma_wait3A = arith.constant 0 : i32
        %dma_wait3A_48 = tpu.memref_slice %arg13[%mul3A_0, %dma_wait3A] : memref<10000x128xf32, #tpu.memory_space<vmem_shared>> -> memref<632x128xf32, #tpu.memory_space<vmem_shared>>
        %dma_wait3A_49 = arith.constant 0 : i32
        %dma_wait3A_50 = tpu.memref_slice %arg2[%mul3A_0, %dma_wait3A_49] : memref<10000x128xf32, #tpu.memory_space<hbm>> -> memref<632x128xf32, #tpu.memory_space<hbm>>
        tpu.wait_dma2 semaphore(%run_scoped3A : memref<!tpu.dma_semaphore, #tpu.memory_space<semaphore_mem>>) src(%dma_wait3A_50 : memref<632x128xf32, #tpu.memory_space<hbm>>) dst(%dma_wait3A_48 : memref<632x128xf32, #tpu.memory_space<vmem_shared>>)
        tpu.yield
      }) : () -> ()
    } else {
    }
    %eq3A = arith.constant 15 : i32
    %eq3A_3 = arith.cmpi eq, %arg1, %eq3A : i32
    %convert_element_type3A_4 = arith.extui %eq3A_3 : i1 to i32
    %cond3A_5 = arith.constant 0 : i32
    %cond3A_6 = arith.cmpi ne, %convert_element_type3A_4, %cond3A_5 : i32
    scf.if %cond3A_6 {
      "tpu.region"() ({
        %run_scoped3A = tpu.sem_alloc : memref<!tpu.dma_semaphore, #tpu.memory_space<semaphore_mem>>
        %dma_start3A = arith.constant 9480 : i32
        %dma_start3A_45 = arith.constant 0 : i32
        %dma_start3A_46 = tpu.memref_slice %arg13[%dma_start3A, %dma_start3A_45] : memref<10000x128xf32, #tpu.memory_space<vmem_shared>> -> memref<520x128xf32, #tpu.memory_space<vmem_shared>>
        %dma_start3A_47 = arith.constant 9480 : i32
        %dma_start3A_48 = arith.constant 0 : i32
        %dma_start3A_49 = tpu.memref_slice %arg2[%dma_start3A_47, %dma_start3A_48] : memref<10000x128xf32, #tpu.memory_space<hbm>> -> memref<520x128xf32, #tpu.memory_space<hbm>>
        tpu.enqueue_dma source(%dma_start3A_49 : memref<520x128xf32, #tpu.memory_space<hbm>>) target(%dma_start3A_46 : memref<520x128xf32, #tpu.memory_space<vmem_shared>>) target_semaphore(%run_scoped3A : memref<!tpu.dma_semaphore, #tpu.memory_space<semaphore_mem>>)
        %dma_wait3A = arith.constant 9480 : i32
        %dma_wait3A_50 = arith.constant 0 : i32
        %dma_wait3A_51 = tpu.memref_slice %arg13[%dma_wait3A, %dma_wait3A_50] : memref<10000x128xf32, #tpu.memory_space<vmem_shared>> -> memref<520x128xf32, #tpu.memory_space<vmem_shared>>
        %dma_wait3A_52 = arith.constant 9480 : i32
        %dma_wait3A_53 = arith.constant 0 : i32
        %dma_wait3A_54 = tpu.memref_slice %arg2[%dma_wait3A_52, %dma_wait3A_53] : memref<10000x128xf32, #tpu.memory_space<hbm>> -> memref<520x128xf32, #tpu.memory_space<hbm>>
        tpu.wait_dma2 semaphore(%run_scoped3A : memref<!tpu.dma_semaphore, #tpu.memory_space<semaphore_mem>>) src(%dma_wait3A_54 : memref<520x128xf32, #tpu.memory_space<hbm>>) dst(%dma_wait3A_51 : memref<520x128xf32, #tpu.memory_space<vmem_shared>>)
        tpu.yield
      }) : () -> ()
    } else {
    }
    %broadcast_in_dim3A = arith.constant 0.000000e+00 : f32
    %broadcast_in_dim3A_7 = vector.broadcast %broadcast_in_dim3A : f32 to vector<16xf32>
    %scan3A = arith.constant 0 : i32
    %scan3A_8 = arith.constant 0 : i32
    %scan3A_9 = arith.constant 256 : i32
    %scan3A_10 = arith.addi %scan3A_8, %scan3A_9 : i32
    %scan3A_11 = arith.constant 1 : i32
    scf.for %scan3A_45 = %scan3A_8 to %scan3A_10 step %scan3A_11  : i32 {
      %jit3A = arith.constant 8 : i32
      %div3A = arith.divsi %scan3A_45, %jit3A : i32
      %sign3A = arith.constant 0 : i32
      %sign3A_46 = arith.cmpi sgt, %scan3A_45, %sign3A : i32
      %sign3A_47 = arith.extui %sign3A_46 : i1 to i32
      %sign3A_48 = arith.constant 0 : i32
      %sign3A_49 = arith.cmpi slt, %scan3A_45, %sign3A_48 : i32
      %sign3A_50 = arith.extui %sign3A_49 : i1 to i32
      %sign3A_51 = arith.subi %sign3A_47, %sign3A_50 : i32
      %sign3A_52 = arith.constant 0 : i32
      %sign3A_53 = arith.cmpi sgt, %jit3A, %sign3A_52 : i32
      %sign3A_54 = arith.extui %sign3A_53 : i1 to i32
      %sign3A_55 = arith.constant 0 : i32
      %sign3A_56 = arith.cmpi slt, %jit3A, %sign3A_55 : i32
      %sign3A_57 = arith.extui %sign3A_56 : i1 to i32
      %sign3A_58 = arith.subi %sign3A_54, %sign3A_57 : i32
      %ne3A = arith.cmpi ne, %sign3A_51, %sign3A_58 : i32
      %rem3A = arith.remsi %scan3A_45, %jit3A : i32
      %ne3A_59 = arith.constant 0 : i32
      %ne3A_60 = arith.cmpi ne, %rem3A, %ne3A_59 : i32
      %and3A = arith.andi %ne3A, %ne3A_60 : i1
      %sub3A = arith.constant 1 : i32
      %sub3A_61 = arith.subi %div3A, %sub3A : i32
      %select_n3A = arith.select %and3A, %sub3A_61, %div3A : i32
      %jit3A_62 = arith.constant 8 : i32
      %eq3A_63 = arith.constant 0 : i32
      %eq3A_64 = arith.cmpi eq, %jit3A_62, %eq3A_63 : i32
      %jit3A_65 = arith.constant 1 : i32
      %select_n3A_66 = arith.select %eq3A_64, %jit3A_65, %jit3A_62 : i32
      %rem3A_67 = arith.remsi %scan3A_45, %select_n3A_66 : i32
      %ne3A_68 = arith.constant 0 : i32
      %ne3A_69 = arith.cmpi ne, %rem3A_67, %ne3A_68 : i32
      %lt3A_70 = arith.constant 0 : i32
      %lt3A_71 = arith.cmpi slt, %rem3A_67, %lt3A_70 : i32
      %lt3A_72 = arith.constant 0 : i32
      %lt3A_73 = arith.cmpi slt, %select_n3A_66, %lt3A_72 : i32
      %ne3A_74 = arith.xori %lt3A_71, %lt3A_73 : i1
      %and3A_75 = arith.andi %ne3A_74, %ne3A_69 : i1
      %add3A_76 = arith.addi %rem3A_67, %select_n3A_66 : i32
      %select_n3A_77 = arith.select %and3A_75, %add3A_76, %rem3A_67 : i32
      %mul3A_78 = arith.constant 16 : i32
      %mul3A_79 = arith.muli %select_n3A_77, %mul3A_78 : i32
      %swap3A = arith.index_cast %select_n3A : i32 to index
      %swap3A_80 = arith.index_cast %mul3A_79 : i32 to index
      %swap3A_81 = tpu.vector_load %arg11[%swap3A, %swap3A_80] {strides = array<i32>} : memref<32x128xf32, #tpu.memory_space<vmem>>, vector<1x16xf32>,
      %swap3A_82 = vector.shape_cast %swap3A_81 : vector<1x16xf32> to vector<16xf32>
      %swap3A_83 = vector.shape_cast %broadcast_in_dim3A_7 : vector<16xf32> to vector<1x16xf32>
      tpu.vector_store %arg11[%swap3A, %swap3A_80], %swap3A_83 {strides = array<i32>} : memref<32x128xf32, #tpu.memory_space<vmem>>, vector<1x16xf32>,
    }
    %scan3A_12 = arith.constant 256 : i32
    %mul3A_13 = arith.constant 320 : i32
    %mul3A_14 = arith.muli %arg1, %mul3A_13 : i32
    %add3A = arith.constant 0 : i32
    %add3A_15 = arith.addi %mul3A_14, %add3A : i32
    "tpu.region"() ({
      %run_scoped3A = tpu.sem_alloc : memref<!tpu.dma_semaphore, #tpu.memory_space<semaphore_mem>>
      %dma_start3A = arith.constant 0 : i32
      %dma_start3A_45 = tpu.memref_slice %arg14[%add3A_15, %dma_start3A] : memref<5120x128xf32, #tpu.memory_space<vmem_shared>> -> memref<32x128xf32, #tpu.memory_space<vmem_shared>>
      %dma_start3A_46 = arith.constant 0 : i32
      %dma_start3A_47 = tpu.memref_slice %arg14[%add3A_15, %dma_start3A_46] : memref<5120x128xf32, #tpu.memory_space<vmem_shared>> -> memref<32x128xf32, #tpu.memory_space<vmem_shared>>
      tpu.enqueue_dma source(%arg11 : memref<32x128xf32, #tpu.memory_space<vmem>>) target(%dma_start3A_47 : memref<32x128xf32, #tpu.memory_space<vmem_shared>>) target_semaphore(%run_scoped3A : memref<!tpu.dma_semaphore, #tpu.memory_space<semaphore_mem>>)
      %dma_wait3A = arith.constant 0 : i32
      %dma_wait3A_48 = tpu.memref_slice %arg14[%add3A_15, %dma_wait3A] : memref<5120x128xf32, #tpu.memory_space<vmem_shared>> -> memref<32x128xf32, #tpu.memory_space<vmem_shared>>
      %dma_wait3A_49 = arith.constant 0 : i32
      %dma_wait3A_50 = tpu.memref_slice %arg14[%add3A_15, %dma_wait3A_49] : memref<5120x128xf32, #tpu.memory_space<vmem_shared>> -> memref<32x128xf32, #tpu.memory_space<vmem_shared>>
      tpu.wait_dma2 semaphore(%run_scoped3A : memref<!tpu.dma_semaphore, #tpu.memory_space<semaphore_mem>>) src(%arg11 : memref<32x128xf32, #tpu.memory_space<vmem>>) dst(%dma_wait3A_50 : memref<32x128xf32, #tpu.memory_space<vmem_shared>>)
      tpu.yield
    }) : () -> ()
    %add3A_16 = arith.constant 32 : i32
    %add3A_17 = arith.addi %mul3A_14, %add3A_16 : i32
    "tpu.region"() ({
      %run_scoped3A = tpu.sem_alloc : memref<!tpu.dma_semaphore, #tpu.memory_space<semaphore_mem>>
      %dma_start3A = arith.constant 0 : i32
      %dma_start3A_45 = tpu.memref_slice %arg14[%add3A_17, %dma_start3A] : memref<5120x128xf32, #tpu.memory_space<vmem_shared>> -> memref<32x128xf32, #tpu.memory_space<vmem_shared>>
      %dma_start3A_46 = arith.constant 0 : i32
      %dma_start3A_47 = tpu.memref_slice %arg14[%add3A_17, %dma_start3A_46] : memref<5120x128xf32, #tpu.memory_space<vmem_shared>> -> memref<32x128xf32, #tpu.memory_space<vmem_shared>>
      tpu.enqueue_dma source(%arg11 : memref<32x128xf32, #tpu.memory_space<vmem>>) target(%dma_start3A_47 : memref<32x128xf32, #tpu.memory_space<vmem_shared>>) target_semaphore(%run_scoped3A : memref<!tpu.dma_semaphore, #tpu.memory_space<semaphore_mem>>)
      %dma_wait3A = arith.constant 0 : i32
      %dma_wait3A_48 = tpu.memref_slice %arg14[%add3A_17, %dma_wait3A] : memref<5120x128xf32, #tpu.memory_space<vmem_shared>> -> memref<32x128xf32, #tpu.memory_space<vmem_shared>>
      %dma_wait3A_49 = arith.constant 0 : i32
      %dma_wait3A_50 = tpu.memref_slice %arg14[%add3A_17, %dma_wait3A_49] : memref<5120x128xf32, #tpu.memory_space<vmem_shared>> -> memref<32x128xf32, #tpu.memory_space<vmem_shared>>
      tpu.wait_dma2 semaphore(%run_scoped3A : memref<!tpu.dma_semaphore, #tpu.memory_space<semaphore_mem>>) src(%arg11 : memref<32x128xf32, #tpu.memory_space<vmem>>) dst(%dma_wait3A_50 : memref<32x128xf32, #tpu.memory_space<vmem_shared>>)
      tpu.yield
    }) : () -> ()
    %add3A_18 = arith.constant 64 : i32
    %add3A_19 = arith.addi %mul3A_14, %add3A_18 : i32
    "tpu.region"() ({
      %run_scoped3A = tpu.sem_alloc : memref<!tpu.dma_semaphore, #tpu.memory_space<semaphore_mem>>
      %dma_start3A = arith.constant 0 : i32
      %dma_start3A_45 = tpu.memref_slice %arg14[%add3A_19, %dma_start3A] : memref<5120x128xf32, #tpu.memory_space<vmem_shared>> -> memref<32x128xf32, #tpu.memory_space<vmem_shared>>
      %dma_start3A_46 = arith.constant 0 : i32
      %dma_start3A_47 = tpu.memref_slice %arg14[%add3A_19, %dma_start3A_46] : memref<5120x128xf32, #tpu.memory_space<vmem_shared>> -> memref<32x128xf32, #tpu.memory_space<vmem_shared>>
      tpu.enqueue_dma source(%arg11 : memref<32x128xf32, #tpu.memory_space<vmem>>) target(%dma_start3A_47 : memref<32x128xf32, #tpu.memory_space<vmem_shared>>) target_semaphore(%run_scoped3A : memref<!tpu.dma_semaphore, #tpu.memory_space<semaphore_mem>>)
      %dma_wait3A = arith.constant 0 : i32
      %dma_wait3A_48 = tpu.memref_slice %arg14[%add3A_19, %dma_wait3A] : memref<5120x128xf32, #tpu.memory_space<vmem_shared>> -> memref<32x128xf32, #tpu.memory_space<vmem_shared>>
      %dma_wait3A_49 = arith.constant 0 : i32
      %dma_wait3A_50 = tpu.memref_slice %arg14[%add3A_19, %dma_wait3A_49] : memref<5120x128xf32, #tpu.memory_space<vmem_shared>> -> memref<32x128xf32, #tpu.memory_space<vmem_shared>>
      tpu.wait_dma2 semaphore(%run_scoped3A : memref<!tpu.dma_semaphore, #tpu.memory_space<semaphore_mem>>) src(%arg11 : memref<32x128xf32, #tpu.memory_space<vmem>>) dst(%dma_wait3A_50 : memref<32x128xf32, #tpu.memory_space<vmem_shared>>)
      tpu.yield
    }) : () -> ()
    %add3A_20 = arith.constant 96 : i32
    %add3A_21 = arith.addi %mul3A_14, %add3A_20 : i32
    "tpu.region"() ({
      %run_scoped3A = tpu.sem_alloc : memref<!tpu.dma_semaphore, #tpu.memory_space<semaphore_mem>>
      %dma_start3A = arith.constant 0 : i32
      %dma_start3A_45 = tpu.memref_slice %arg14[%add3A_21, %dma_start3A] : memref<5120x128xf32, #tpu.memory_space<vmem_shared>> -> memref<32x128xf32, #tpu.memory_space<vmem_shared>>
      %dma_start3A_46 = arith.constant 0 : i32
      %dma_start3A_47 = tpu.memref_slice %arg14[%add3A_21, %dma_start3A_46] : memref<5120x128xf32, #tpu.memory_space<vmem_shared>> -> memref<32x128xf32, #tpu.memory_space<vmem_shared>>
      tpu.enqueue_dma source(%arg11 : memref<32x128xf32, #tpu.memory_space<vmem>>) target(%dma_start3A_47 : memref<32x128xf32, #tpu.memory_space<vmem_shared>>) target_semaphore(%run_scoped3A : memref<!tpu.dma_semaphore, #tpu.memory_space<semaphore_mem>>)
      %dma_wait3A = arith.constant 0 : i32
      %dma_wait3A_48 = tpu.memref_slice %arg14[%add3A_21, %dma_wait3A] : memref<5120x128xf32, #tpu.memory_space<vmem_shared>> -> memref<32x128xf32, #tpu.memory_space<vmem_shared>>
      %dma_wait3A_49 = arith.constant 0 : i32
      %dma_wait3A_50 = tpu.memref_slice %arg14[%add3A_21, %dma_wait3A_49] : memref<5120x128xf32, #tpu.memory_space<vmem_shared>> -> memref<32x128xf32, #tpu.memory_space<vmem_shared>>
      tpu.wait_dma2 semaphore(%run_scoped3A : memref<!tpu.dma_semaphore, #tpu.memory_space<semaphore_mem>>) src(%arg11 : memref<32x128xf32, #tpu.memory_space<vmem>>) dst(%dma_wait3A_50 : memref<32x128xf32, #tpu.memory_space<vmem_shared>>)
      tpu.yield
    }) : () -> ()
    %add3A_22 = arith.constant 128 : i32
    %add3A_23 = arith.addi %mul3A_14, %add3A_22 : i32
    "tpu.region"() ({
      %run_scoped3A = tpu.sem_alloc : memref<!tpu.dma_semaphore, #tpu.memory_space<semaphore_mem>>
      %dma_start3A = arith.constant 0 : i32
      %dma_start3A_45 = tpu.memref_slice %arg14[%add3A_23, %dma_start3A] : memref<5120x128xf32, #tpu.memory_space<vmem_shared>> -> memref<32x128xf32, #tpu.memory_space<vmem_shared>>
      %dma_start3A_46 = arith.constant 0 : i32
      %dma_start3A_47 = tpu.memref_slice %arg14[%add3A_23, %dma_start3A_46] : memref<5120x128xf32, #tpu.memory_space<vmem_shared>> -> memref<32x128xf32, #tpu.memory_space<vmem_shared>>
      tpu.enqueue_dma source(%arg11 : memref<32x128xf32, #tpu.memory_space<vmem>>) target(%dma_start3A_47 : memref<32x128xf32, #tpu.memory_space<vmem_shared>>) target_semaphore(%run_scoped3A : memref<!tpu.dma_semaphore, #tpu.memory_space<semaphore_mem>>)
      %dma_wait3A = arith.constant 0 : i32
      %dma_wait3A_48 = tpu.memref_slice %arg14[%add3A_23, %dma_wait3A] : memref<5120x128xf32, #tpu.memory_space<vmem_shared>> -> memref<32x128xf32, #tpu.memory_space<vmem_shared>>
      %dma_wait3A_49 = arith.constant 0 : i32
      %dma_wait3A_50 = tpu.memref_slice %arg14[%add3A_23, %dma_wait3A_49] : memref<5120x128xf32, #tpu.memory_space<vmem_shared>> -> memref<32x128xf32, #tpu.memory_space<vmem_shared>>
      tpu.wait_dma2 semaphore(%run_scoped3A : memref<!tpu.dma_semaphore, #tpu.memory_space<semaphore_mem>>) src(%arg11 : memref<32x128xf32, #tpu.memory_space<vmem>>) dst(%dma_wait3A_50 : memref<32x128xf32, #tpu.memory_space<vmem_shared>>)
      tpu.yield
    }) : () -> ()
    %add3A_24 = arith.constant 160 : i32
    %add3A_25 = arith.addi %mul3A_14, %add3A_24 : i32
    "tpu.region"() ({
      %run_scoped3A = tpu.sem_alloc : memref<!tpu.dma_semaphore, #tpu.memory_space<semaphore_mem>>
      %dma_start3A = arith.constant 0 : i32
      %dma_start3A_45 = tpu.memref_slice %arg14[%add3A_25, %dma_start3A] : memref<5120x128xf32, #tpu.memory_space<vmem_shared>> -> memref<32x128xf32, #tpu.memory_space<vmem_shared>>
      %dma_start3A_46 = arith.constant 0 : i32
      %dma_start3A_47 = tpu.memref_slice %arg14[%add3A_25, %dma_start3A_46] : memref<5120x128xf32, #tpu.memory_space<vmem_shared>> -> memref<32x128xf32, #tpu.memory_space<vmem_shared>>
      tpu.enqueue_dma source(%arg11 : memref<32x128xf32, #tpu.memory_space<vmem>>) target(%dma_start3A_47 : memref<32x128xf32, #tpu.memory_space<vmem_shared>>) target_semaphore(%run_scoped3A : memref<!tpu.dma_semaphore, #tpu.memory_space<semaphore_mem>>)
      %dma_wait3A = arith.constant 0 : i32
      %dma_wait3A_48 = tpu.memref_slice %arg14[%add3A_25, %dma_wait3A] : memref<5120x128xf32, #tpu.memory_space<vmem_shared>> -> memref<32x128xf32, #tpu.memory_space<vmem_shared>>
      %dma_wait3A_49 = arith.constant 0 : i32
      %dma_wait3A_50 = tpu.memref_slice %arg14[%add3A_25, %dma_wait3A_49] : memref<5120x128xf32, #tpu.memory_space<vmem_shared>> -> memref<32x128xf32, #tpu.memory_space<vmem_shared>>
      tpu.wait_dma2 semaphore(%run_scoped3A : memref<!tpu.dma_semaphore, #tpu.memory_space<semaphore_mem>>) src(%arg11 : memref<32x128xf32, #tpu.memory_space<vmem>>) dst(%dma_wait3A_50 : memref<32x128xf32, #tpu.memory_space<vmem_shared>>)
      tpu.yield
    }) : () -> ()
    %add3A_26 = arith.constant 192 : i32
    %add3A_27 = arith.addi %mul3A_14, %add3A_26 : i32
    "tpu.region"() ({
      %run_scoped3A = tpu.sem_alloc : memref<!tpu.dma_semaphore, #tpu.memory_space<semaphore_mem>>
      %dma_start3A = arith.constant 0 : i32
      %dma_start3A_45 = tpu.memref_slice %arg14[%add3A_27, %dma_start3A] : memref<5120x128xf32, #tpu.memory_space<vmem_shared>> -> memref<32x128xf32, #tpu.memory_space<vmem_shared>>
      %dma_start3A_46 = arith.constant 0 : i32
      %dma_start3A_47 = tpu.memref_slice %arg14[%add3A_27, %dma_start3A_46] : memref<5120x128xf32, #tpu.memory_space<vmem_shared>> -> memref<32x128xf32, #tpu.memory_space<vmem_shared>>
      tpu.enqueue_dma source(%arg11 : memref<32x128xf32, #tpu.memory_space<vmem>>) target(%dma_start3A_47 : memref<32x128xf32, #tpu.memory_space<vmem_shared>>) target_semaphore(%run_scoped3A : memref<!tpu.dma_semaphore, #tpu.memory_space<semaphore_mem>>)
      %dma_wait3A = arith.constant 0 : i32
      %dma_wait3A_48 = tpu.memref_slice %arg14[%add3A_27, %dma_wait3A] : memref<5120x128xf32, #tpu.memory_space<vmem_shared>> -> memref<32x128xf32, #tpu.memory_space<vmem_shared>>
      %dma_wait3A_49 = arith.constant 0 : i32
      %dma_wait3A_50 = tpu.memref_slice %arg14[%add3A_27, %dma_wait3A_49] : memref<5120x128xf32, #tpu.memory_space<vmem_shared>> -> memref<32x128xf32, #tpu.memory_space<vmem_shared>>
      tpu.wait_dma2 semaphore(%run_scoped3A : memref<!tpu.dma_semaphore, #tpu.memory_space<semaphore_mem>>) src(%arg11 : memref<32x128xf32, #tpu.memory_space<vmem>>) dst(%dma_wait3A_50 : memref<32x128xf32, #tpu.memory_space<vmem_shared>>)
      tpu.yield
    }) : () -> ()
    %add3A_28 = arith.constant 224 : i32
    %add3A_29 = arith.addi %mul3A_14, %add3A_28 : i32
    "tpu.region"() ({
      %run_scoped3A = tpu.sem_alloc : memref<!tpu.dma_semaphore, #tpu.memory_space<semaphore_mem>>
      %dma_start3A = arith.constant 0 : i32
      %dma_start3A_45 = tpu.memref_slice %arg14[%add3A_29, %dma_start3A] : memref<5120x128xf32, #tpu.memory_space<vmem_shared>> -> memref<32x128xf32, #tpu.memory_space<vmem_shared>>
      %dma_start3A_46 = arith.constant 0 : i32
      %dma_start3A_47 = tpu.memref_slice %arg14[%add3A_29, %dma_start3A_46] : memref<5120x128xf32, #tpu.memory_space<vmem_shared>> -> memref<32x128xf32, #tpu.memory_space<vmem_shared>>
      tpu.enqueue_dma source(%arg11 : memref<32x128xf32, #tpu.memory_space<vmem>>) target(%dma_start3A_47 : memref<32x128xf32, #tpu.memory_space<vmem_shared>>) target_semaphore(%run_scoped3A : memref<!tpu.dma_semaphore, #tpu.memory_space<semaphore_mem>>)
      %dma_wait3A = arith.constant 0 : i32
      %dma_wait3A_48 = tpu.memref_slice %arg14[%add3A_29, %dma_wait3A] : memref<5120x128xf32, #tpu.memory_space<vmem_shared>> -> memref<32x128xf32, #tpu.memory_space<vmem_shared>>
      %dma_wait3A_49 = arith.constant 0 : i32
      %dma_wait3A_50 = tpu.memref_slice %arg14[%add3A_29, %dma_wait3A_49] : memref<5120x128xf32, #tpu.memory_space<vmem_shared>> -> memref<32x128xf32, #tpu.memory_space<vmem_shared>>
      tpu.wait_dma2 semaphore(%run_scoped3A : memref<!tpu.dma_semaphore, #tpu.memory_space<semaphore_mem>>) src(%arg11 : memref<32x128xf32, #tpu.memory_space<vmem>>) dst(%dma_wait3A_50 : memref<32x128xf32, #tpu.memory_space<vmem_shared>>)
      tpu.yield
    }) : () -> ()
    %add3A_30 = arith.constant 256 : i32
    %add3A_31 = arith.addi %mul3A_14, %add3A_30 : i32
    "tpu.region"() ({
      %run_scoped3A = tpu.sem_alloc : memref<!tpu.dma_semaphore, #tpu.memory_space<semaphore_mem>>
      %dma_start3A = arith.constant 0 : i32
      %dma_start3A_45 = tpu.memref_slice %arg14[%add3A_31, %dma_start3A] : memref<5120x128xf32, #tpu.memory_space<vmem_shared>> -> memref<32x128xf32, #tpu.memory_space<vmem_shared>>
      %dma_start3A_46 = arith.constant 0 : i32
      %dma_start3A_47 = tpu.memref_slice %arg14[%add3A_31, %dma_start3A_46] : memref<5120x128xf32, #tpu.memory_space<vmem_shared>> -> memref<32x128xf32, #tpu.memory_space<vmem_shared>>
      tpu.enqueue_dma source(%arg11 : memref<32x128xf32, #tpu.memory_space<vmem>>) target(%dma_start3A_47 : memref<32x128xf32, #tpu.memory_space<vmem_shared>>) target_semaphore(%run_scoped3A : memref<!tpu.dma_semaphore, #tpu.memory_space<semaphore_mem>>)
      %dma_wait3A = arith.constant 0 : i32
      %dma_wait3A_48 = tpu.memref_slice %arg14[%add3A_31, %dma_wait3A] : memref<5120x128xf32, #tpu.memory_space<vmem_shared>> -> memref<32x128xf32, #tpu.memory_space<vmem_shared>>
      %dma_wait3A_49 = arith.constant 0 : i32
      %dma_wait3A_50 = tpu.memref_slice %arg14[%add3A_31, %dma_wait3A_49] : memref<5120x128xf32, #tpu.memory_space<vmem_shared>> -> memref<32x128xf32, #tpu.memory_space<vmem_shared>>
      tpu.wait_dma2 semaphore(%run_scoped3A : memref<!tpu.dma_semaphore, #tpu.memory_space<semaphore_mem>>) src(%arg11 : memref<32x128xf32, #tpu.memory_space<vmem>>) dst(%dma_wait3A_50 : memref<32x128xf32, #tpu.memory_space<vmem_shared>>)
      tpu.yield
    }) : () -> ()
    %add3A_32 = arith.constant 288 : i32
    %add3A_33 = arith.addi %mul3A_14, %add3A_32 : i32
    "tpu.region"() ({
      %run_scoped3A = tpu.sem_alloc : memref<!tpu.dma_semaphore, #tpu.memory_space<semaphore_mem>>
      %dma_start3A = arith.constant 0 : i32
      %dma_start3A_45 = tpu.memref_slice %arg14[%add3A_33, %dma_start3A] : memref<5120x128xf32, #tpu.memory_space<vmem_shared>> -> memref<32x128xf32, #tpu.memory_space<vmem_shared>>
      %dma_start3A_46 = arith.constant 0 : i32
      %dma_start3A_47 = tpu.memref_slice %arg14[%add3A_33, %dma_start3A_46] : memref<5120x128xf32, #tpu.memory_space<vmem_shared>> -> memref<32x128xf32, #tpu.memory_space<vmem_shared>>
      tpu.enqueue_dma source(%arg11 : memref<32x128xf32, #tpu.memory_space<vmem>>) target(%dma_start3A_47 : memref<32x128xf32, #tpu.memory_space<vmem_shared>>) target_semaphore(%run_scoped3A : memref<!tpu.dma_semaphore, #tpu.memory_space<semaphore_mem>>)
      %dma_wait3A = arith.constant 0 : i32
      %dma_wait3A_48 = tpu.memref_slice %arg14[%add3A_33, %dma_wait3A] : memref<5120x128xf32, #tpu.memory_space<vmem_shared>> -> memref<32x128xf32, #tpu.memory_space<vmem_shared>>
      %dma_wait3A_49 = arith.constant 0 : i32
      %dma_wait3A_50 = tpu.memref_slice %arg14[%add3A_33, %dma_wait3A_49] : memref<5120x128xf32, #tpu.memory_space<vmem_shared>> -> memref<32x128xf32, #tpu.memory_space<vmem_shared>>
      tpu.wait_dma2 semaphore(%run_scoped3A : memref<!tpu.dma_semaphore, #tpu.memory_space<semaphore_mem>>) src(%arg11 : memref<32x128xf32, #tpu.memory_space<vmem>>) dst(%dma_wait3A_50 : memref<32x128xf32, #tpu.memory_space<vmem_shared>>)
      tpu.yield
    }) : () -> ()
    %barrier3A = arith.constant 0 : index
    tpu.barrier barrier_id(%barrier3A)
    %eq3A_34 = arith.constant 0 : i32
    %eq3A_35 = arith.cmpi eq, %arg0, %eq3A_34 : i32
    %convert_element_type3A_36 = arith.extui %eq3A_35 : i1 to i32
    %cond3A_37 = arith.constant 0 : i32
    %cond3A_38 = arith.cmpi ne, %convert_element_type3A_36, %cond3A_37 : i32
    scf.if %cond3A_38 {
      "tpu.region"() ({
        %run_scoped3A_140 = tpu.sem_alloc : memref<!tpu.dma_semaphore, #tpu.memory_space<semaphore_mem>>
        %dma_start3A_141 = arith.constant 0 : i32
        %dma_start3A_142 = arith.constant 0 : i32
        %dma_start3A_143 = tpu.memref_slice %arg3[%arg1, %dma_start3A_141, %dma_start3A_142] : memref<16x640x32xi32, #tpu.memory_space<hbm>> -> memref<1x2x32xi32, #tpu.memory_space<hbm>>
        %dma_start3A_144 = tpu.memref_squeeze %dma_start3A_143 : memref<1x2x32xi32, #tpu.memory_space<hbm>> -> memref<2x32xi32, #tpu.memory_space<hbm>>
        %dma_start3A_145 = arith.constant 0 : i32
        %dma_start3A_146 = arith.constant 0 : i32
        %dma_start3A_147 = tpu.memref_slice %arg3[%arg1, %dma_start3A_145, %dma_start3A_146] : memref<16x640x32xi32, #tpu.memory_space<hbm>> -> memref<1x2x32xi32, #tpu.memory_space<hbm>>
        %dma_start3A_148 = tpu.memref_squeeze %dma_start3A_147 : memref<1x2x32xi32, #tpu.memory_space<hbm>> -> memref<2x32xi32, #tpu.memory_space<hbm>>
        tpu.enqueue_dma source(%dma_start3A_148 : memref<2x32xi32, #tpu.memory_space<hbm>>) target(%arg7 : memref<2x32xi32, #tpu.memory_space<vmem>>) target_semaphore(%run_scoped3A_140 : memref<!tpu.dma_semaphore, #tpu.memory_space<semaphore_mem>>)
        %dma_wait3A_149 = arith.constant 0 : i32
        %dma_wait3A_150 = arith.constant 0 : i32
        %dma_wait3A_151 = tpu.memref_slice %arg3[%arg1, %dma_wait3A_149, %dma_wait3A_150] : memref<16x640x32xi32, #tpu.memory_space<hbm>> -> memref<1x2x32xi32, #tpu.memory_space<hbm>>
        %dma_wait3A_152 = tpu.memref_squeeze %dma_wait3A_151 : memref<1x2x32xi32, #tpu.memory_space<hbm>> -> memref<2x32xi32, #tpu.memory_space<hbm>>
        %dma_wait3A_153 = arith.constant 0 : i32
        %dma_wait3A_154 = arith.constant 0 : i32
        %dma_wait3A_155 = tpu.memref_slice %arg3[%arg1, %dma_wait3A_153, %dma_wait3A_154] : memref<16x640x32xi32, #tpu.memory_space<hbm>> -> memref<1x2x32xi32, #tpu.memory_space<hbm>>
        %dma_wait3A_156 = tpu.memref_squeeze %dma_wait3A_155 : memref<1x2x32xi32, #tpu.memory_space<hbm>> -> memref<2x32xi32, #tpu.memory_space<hbm>>
        tpu.wait_dma2 semaphore(%run_scoped3A_140 : memref<!tpu.dma_semaphore, #tpu.memory_space<semaphore_mem>>) src(%dma_wait3A_156 : memref<2x32xi32, #tpu.memory_space<hbm>>) dst(%arg7 : memref<2x32xi32, #tpu.memory_space<vmem>>)
        tpu.yield
      }) : () -> ()
      "tpu.region"() ({
        %run_scoped3A_140 = tpu.sem_alloc : memref<!tpu.dma_semaphore, #tpu.memory_space<semaphore_mem>>
        %dma_start3A_141 = arith.constant 0 : i32
        %dma_start3A_142 = arith.constant 0 : i32
        %dma_start3A_143 = tpu.memref_slice %arg4[%arg1, %dma_start3A_141, %dma_start3A_142] : memref<16x640x32xi32, #tpu.memory_space<hbm>> -> memref<1x2x32xi32, #tpu.memory_space<hbm>>
        %dma_start3A_144 = tpu.memref_squeeze %dma_start3A_143 : memref<1x2x32xi32, #tpu.memory_space<hbm>> -> memref<2x32xi32, #tpu.memory_space<hbm>>
        %dma_start3A_145 = arith.constant 0 : i32
        %dma_start3A_146 = arith.constant 0 : i32
        %dma_start3A_147 = tpu.memref_slice %arg4[%arg1, %dma_start3A_145, %dma_start3A_146] : memref<16x640x32xi32, #tpu.memory_space<hbm>> -> memref<1x2x32xi32, #tpu.memory_space<hbm>>
        %dma_start3A_148 = tpu.memref_squeeze %dma_start3A_147 : memref<1x2x32xi32, #tpu.memory_space<hbm>> -> memref<2x32xi32, #tpu.memory_space<hbm>>
        tpu.enqueue_dma source(%dma_start3A_148 : memref<2x32xi32, #tpu.memory_space<hbm>>) target(%arg8 : memref<2x32xi32, #tpu.memory_space<vmem>>) target_semaphore(%run_scoped3A_140 : memref<!tpu.dma_semaphore, #tpu.memory_space<semaphore_mem>>)
        %dma_wait3A_149 = arith.constant 0 : i32
        %dma_wait3A_150 = arith.constant 0 : i32
        %dma_wait3A_151 = tpu.memref_slice %arg4[%arg1, %dma_wait3A_149, %dma_wait3A_150] : memref<16x640x32xi32, #tpu.memory_space<hbm>> -> memref<1x2x32xi32, #tpu.memory_space<hbm>>
        %dma_wait3A_152 = tpu.memref_squeeze %dma_wait3A_151 : memref<1x2x32xi32, #tpu.memory_space<hbm>> -> memref<2x32xi32, #tpu.memory_space<hbm>>
        %dma_wait3A_153 = arith.constant 0 : i32
        %dma_wait3A_154 = arith.constant 0 : i32
        %dma_wait3A_155 = tpu.memref_slice %arg4[%arg1, %dma_wait3A_153, %dma_wait3A_154] : memref<16x640x32xi32, #tpu.memory_space<hbm>> -> memref<1x2x32xi32, #tpu.memory_space<hbm>>
        %dma_wait3A_156 = tpu.memref_squeeze %dma_wait3A_155 : memref<1x2x32xi32, #tpu.memory_space<hbm>> -> memref<2x32xi32, #tpu.memory_space<hbm>>
        tpu.wait_dma2 semaphore(%run_scoped3A_140 : memref<!tpu.dma_semaphore, #tpu.memory_space<semaphore_mem>>) src(%dma_wait3A_156 : memref<2x32xi32, #tpu.memory_space<hbm>>) dst(%arg8 : memref<2x32xi32, #tpu.memory_space<vmem>>)
        tpu.yield
      }) : () -> ()
      %dma_start3A = arith.constant 2 : i32
      %dma_start3A_45 = arith.constant 0 : i32
      %dma_start3A_46 = tpu.memref_slice %arg3[%arg1, %dma_start3A, %dma_start3A_45] : memref<16x640x32xi32, #tpu.memory_space<hbm>> -> memref<1x2x32xi32, #tpu.memory_space<hbm>>
      %dma_start3A_47 = tpu.memref_squeeze %dma_start3A_46 : memref<1x2x32xi32, #tpu.memory_space<hbm>> -> memref<2x32xi32, #tpu.memory_space<hbm>>
      %dma_start3A_48 = arith.constant 2 : i32
      %dma_start3A_49 = arith.constant 0 : i32
      %dma_start3A_50 = tpu.memref_slice %arg3[%arg1, %dma_start3A_48, %dma_start3A_49] : memref<16x640x32xi32, #tpu.memory_space<hbm>> -> memref<1x2x32xi32, #tpu.memory_space<hbm>>
      %dma_start3A_51 = tpu.memref_squeeze %dma_start3A_50 : memref<1x2x32xi32, #tpu.memory_space<hbm>> -> memref<2x32xi32, #tpu.memory_space<hbm>>
      tpu.enqueue_dma source(%dma_start3A_51 : memref<2x32xi32, #tpu.memory_space<hbm>>) target(%arg9 : memref<2x32xi32, #tpu.memory_space<vmem>>) target_semaphore(%arg18 : memref<!tpu.dma_semaphore, #tpu.memory_space<semaphore_mem>>)
      %dma_start3A_52 = arith.constant 2 : i32
      %dma_start3A_53 = arith.constant 0 : i32
      %dma_start3A_54 = tpu.memref_slice %arg4[%arg1, %dma_start3A_52, %dma_start3A_53] : memref<16x640x32xi32, #tpu.memory_space<hbm>> -> memref<1x2x32xi32, #tpu.memory_space<hbm>>
      %dma_start3A_55 = tpu.memref_squeeze %dma_start3A_54 : memref<1x2x32xi32, #tpu.memory_space<hbm>> -> memref<2x32xi32, #tpu.memory_space<hbm>>
      %dma_start3A_56 = arith.constant 2 : i32
      %dma_start3A_57 = arith.constant 0 : i32
      %dma_start3A_58 = tpu.memref_slice %arg4[%arg1, %dma_start3A_56, %dma_start3A_57] : memref<16x640x32xi32, #tpu.memory_space<hbm>> -> memref<1x2x32xi32, #tpu.memory_space<hbm>>
      %dma_start3A_59 = tpu.memref_squeeze %dma_start3A_58 : memref<1x2x32xi32, #tpu.memory_space<hbm>> -> memref<2x32xi32, #tpu.memory_space<hbm>>
      tpu.enqueue_dma source(%dma_start3A_59 : memref<2x32xi32, #tpu.memory_space<hbm>>) target(%arg10 : memref<2x32xi32, #tpu.memory_space<vmem>>) target_semaphore(%arg18 : memref<!tpu.dma_semaphore, #tpu.memory_space<semaphore_mem>>)
      %dma_start3A_60 = arith.constant 0 : i32
      %dma_start3A_61 = arith.constant 0 : i32
      %dma_start3A_62 = tpu.memref_slice %arg7[%dma_start3A_60, %dma_start3A_61] : memref<2x32xi32, #tpu.memory_space<vmem>> -> memref<1x32xi32, #tpu.memory_space<vmem>>
      %dma_start3A_63 = tpu.memref_squeeze %dma_start3A_62 : memref<1x32xi32, #tpu.memory_space<vmem>> -> memref<32xi32, #tpu.memory_space<vmem>>
      %dma_start3A_64 = arith.constant 0 : i32
      %dma_start3A_65 = arith.constant 0 : i32
      %dma_start3A_66 = tpu.memref_slice %arg13[%dma_start3A_64, %dma_start3A_65] : memref<10000x128xf32, #tpu.memory_space<vmem_shared>> -> memref<10000x128xf32, #tpu.memory_space<vmem_shared>>
      tpu.enqueue_indirect_dma source(%dma_start3A_66 : memref<10000x128xf32, #tpu.memory_space<vmem_shared>>) target(%arg11 : memref<32x128xf32, #tpu.memory_space<vmem>>) offsets(%dma_start3A_63 : memref<32xi32, #tpu.memory_space<vmem>>) semaphore(%arg15 : memref<!tpu.dma_semaphore, #tpu.memory_space<semaphore_mem>>)
      %dma_start3A_67 = arith.constant 1 : i32
      %dma_start3A_68 = arith.constant 0 : i32
      %dma_start3A_69 = tpu.memref_slice %arg7[%dma_start3A_67, %dma_start3A_68] : memref<2x32xi32, #tpu.memory_space<vmem>> -> memref<1x32xi32, #tpu.memory_space<vmem>>
      %dma_start3A_70 = tpu.memref_squeeze %dma_start3A_69 : memref<1x32xi32, #tpu.memory_space<vmem>> -> memref<32xi32, #tpu.memory_space<vmem>>
      %dma_start3A_71 = arith.constant 0 : i32
      %dma_start3A_72 = arith.constant 0 : i32
      %dma_start3A_73 = tpu.memref_slice %arg13[%dma_start3A_71, %dma_start3A_72] : memref<10000x128xf32, #tpu.memory_space<vmem_shared>> -> memref<10000x128xf32, #tpu.memory_space<vmem_shared>>
      tpu.enqueue_indirect_dma source(%dma_start3A_73 : memref<10000x128xf32, #tpu.memory_space<vmem_shared>>) target(%arg12 : memref<32x128xf32, #tpu.memory_space<vmem>>) offsets(%dma_start3A_70 : memref<32xi32, #tpu.memory_space<vmem>>) semaphore(%arg16 : memref<!tpu.dma_semaphore, #tpu.memory_space<semaphore_mem>>)
      %scan3A_74 = arith.constant 0 : i32
      %scan3A_75 = arith.constant 0 : i32
      %scan3A_76 = arith.constant 159 : i32
      %scan3A_77 = arith.addi %scan3A_75, %scan3A_76 : i32
      %scan3A_78 = arith.constant 1 : i32
      scf.for %scan3A_140 = %scan3A_75 to %scan3A_77 step %scan3A_78  : i32 {
        %mul3A_141 = arith.constant 2 : i32
        %mul3A_142 = arith.muli %mul3A_141, %scan3A_140 : i32
        %add3A_143 = arith.constant 2 : i32
        %add3A_144 = arith.addi %mul3A_142, %add3A_143 : i32
        %mul3A_145 = arith.constant 2 : i32
        %mul3A_146 = arith.muli %add3A_144, %mul3A_145 : i32
        %mul3A_147 = arith.constant 2 : i32
        %mul3A_148 = arith.muli %mul3A_147, %scan3A_140 : i32
        %add3A_149 = arith.constant 3 : i32
        %add3A_150 = arith.addi %mul3A_148, %add3A_149 : i32
        %mul3A_151 = arith.constant 2 : i32
        %mul3A_152 = arith.muli %add3A_150, %mul3A_151 : i32
        %dma_wait3A_153 = arith.constant 0 : i32
        %dma_wait3A_154 = arith.constant 0 : i32
        %dma_wait3A_155 = tpu.memref_slice %arg7[%dma_wait3A_153, %dma_wait3A_154] : memref<2x32xi32, #tpu.memory_space<vmem>> -> memref<1x32xi32, #tpu.memory_space<vmem>>
        %dma_wait3A_156 = tpu.memref_squeeze %dma_wait3A_155 : memref<1x32xi32, #tpu.memory_space<vmem>> -> memref<32xi32, #tpu.memory_space<vmem>>
        %dma_wait3A_157 = arith.constant 0 : i32
        %dma_wait3A_158 = arith.constant 0 : i32
        %dma_wait3A_159 = tpu.memref_slice %arg13[%dma_wait3A_157, %dma_wait3A_158] : memref<10000x128xf32, #tpu.memory_space<vmem_shared>> -> memref<10000x128xf32, #tpu.memory_space<vmem_shared>>
        tpu.wait_indirect_dma semaphore(%arg15 : memref<!tpu.dma_semaphore, #tpu.memory_space<semaphore_mem>>) src(%dma_wait3A_159 : memref<10000x128xf32, #tpu.memory_space<vmem_shared>>) dst(%arg11 : memref<32x128xf32, #tpu.memory_space<vmem>>)
        %run_scoped3A_160 = arith.constant 0 : i32
        "tpu.region"() ({
          %run_scoped3A_264 = tpu.sem_alloc : memref<!tpu.dma_semaphore, #tpu.memory_space<semaphore_mem>>
          %dma_start3A_265 = arith.constant 0 : i32
          %dma_start3A_266 = tpu.memref_slice %arg8[%run_scoped3A_160, %dma_start3A_265] : memref<2x32xi32, #tpu.memory_space<vmem>> -> memref<1x32xi32, #tpu.memory_space<vmem>>
          %dma_start3A_267 = tpu.memref_squeeze %dma_start3A_266 : memref<1x32xi32, #tpu.memory_space<vmem>> -> memref<32xi32, #tpu.memory_space<vmem>>
          %dma_start3A_268 = arith.constant 0 : i32
          %dma_start3A_269 = arith.constant 0 : i32
          %dma_start3A_270 = tpu.memref_slice %arg14[%dma_start3A_268, %dma_start3A_269] : memref<5120x128xf32, #tpu.memory_space<vmem_shared>> -> memref<5120x128xf32, #tpu.memory_space<vmem_shared>>
          tpu.enqueue_indirect_dma source(%arg11 : memref<32x128xf32, #tpu.memory_space<vmem>>) target(%dma_start3A_270 : memref<5120x128xf32, #tpu.memory_space<vmem_shared>>) offsets(%dma_start3A_267 : memref<32xi32, #tpu.memory_space<vmem>>) semaphore(%run_scoped3A_264 : memref<!tpu.dma_semaphore, #tpu.memory_space<semaphore_mem>>) {add = true}
          %dma_wait3A_271 = arith.constant 0 : i32
          %dma_wait3A_272 = tpu.memref_slice %arg8[%run_scoped3A_160, %dma_wait3A_271] : memref<2x32xi32, #tpu.memory_space<vmem>> -> memref<1x32xi32, #tpu.memory_space<vmem>>
          %dma_wait3A_273 = tpu.memref_squeeze %dma_wait3A_272 : memref<1x32xi32, #tpu.memory_space<vmem>> -> memref<32xi32, #tpu.memory_space<vmem>>
          %dma_wait3A_274 = arith.constant 0 : i32
          %dma_wait3A_275 = arith.constant 0 : i32
          %dma_wait3A_276 = tpu.memref_slice %arg14[%dma_wait3A_274, %dma_wait3A_275] : memref<5120x128xf32, #tpu.memory_space<vmem_shared>> -> memref<5120x128xf32, #tpu.memory_space<vmem_shared>>
          tpu.wait_indirect_dma semaphore(%run_scoped3A_264 : memref<!tpu.dma_semaphore, #tpu.memory_space<semaphore_mem>>) src(%arg11 : memref<32x128xf32, #tpu.memory_space<vmem>>) dst(%dma_wait3A_276 : memref<5120x128xf32, #tpu.memory_space<vmem_shared>>)
          tpu.yield
        }) : () -> ()
        %sub3A = arith.constant 4 : i32
        %sub3A_161 = arith.subi %mul3A_152, %sub3A : i32
        %dma_wait3A_162 = arith.constant 0 : i32
        %dma_wait3A_163 = tpu.memref_slice %arg3[%arg1, %sub3A_161, %dma_wait3A_162] : memref<16x640x32xi32, #tpu.memory_space<hbm>> -> memref<1x2x32xi32, #tpu.memory_space<hbm>>
        %dma_wait3A_164 = tpu.memref_squeeze %dma_wait3A_163 : memref<1x2x32xi32, #tpu.memory_space<hbm>> -> memref<2x32xi32, #tpu.memory_space<hbm>>
        %dma_wait3A_165 = arith.constant 0 : i32
        %dma_wait3A_166 = tpu.memref_slice %arg3[%arg1, %sub3A_161, %dma_wait3A_165] : memref<16x640x32xi32, #tpu.memory_space<hbm>> -> memref<1x2x32xi32, #tpu.memory_space<hbm>>
        %dma_wait3A_167 = tpu.memref_squeeze %dma_wait3A_166 : memref<1x2x32xi32, #tpu.memory_space<hbm>> -> memref<2x32xi32, #tpu.memory_space<hbm>>
        tpu.wait_dma2 semaphore(%arg18 : memref<!tpu.dma_semaphore, #tpu.memory_space<semaphore_mem>>) src(%dma_wait3A_167 : memref<2x32xi32, #tpu.memory_space<hbm>>) dst(%arg9 : memref<2x32xi32, #tpu.memory_space<vmem>>)
        %sub3A_168 = arith.constant 4 : i32
        %sub3A_169 = arith.subi %mul3A_152, %sub3A_168 : i32
        %dma_wait3A_170 = arith.constant 0 : i32
        %dma_wait3A_171 = tpu.memref_slice %arg4[%arg1, %sub3A_169, %dma_wait3A_170] : memref<16x640x32xi32, #tpu.memory_space<hbm>> -> memref<1x2x32xi32, #tpu.memory_space<hbm>>
        %dma_wait3A_172 = tpu.memref_squeeze %dma_wait3A_171 : memref<1x2x32xi32, #tpu.memory_space<hbm>> -> memref<2x32xi32, #tpu.memory_space<hbm>>
        %dma_wait3A_173 = arith.constant 0 : i32
        %dma_wait3A_174 = tpu.memref_slice %arg4[%arg1, %sub3A_169, %dma_wait3A_173] : memref<16x640x32xi32, #tpu.memory_space<hbm>> -> memref<1x2x32xi32, #tpu.memory_space<hbm>>
        %dma_wait3A_175 = tpu.memref_squeeze %dma_wait3A_174 : memref<1x2x32xi32, #tpu.memory_space<hbm>> -> memref<2x32xi32, #tpu.memory_space<hbm>>
        tpu.wait_dma2 semaphore(%arg18 : memref<!tpu.dma_semaphore, #tpu.memory_space<semaphore_mem>>) src(%dma_wait3A_175 : memref<2x32xi32, #tpu.memory_space<hbm>>) dst(%arg10 : memref<2x32xi32, #tpu.memory_space<vmem>>)
        %dma_start3A_176 = arith.constant 0 : i32
        %dma_start3A_177 = arith.constant 0 : i32
        %dma_start3A_178 = tpu.memref_slice %arg9[%dma_start3A_176, %dma_start3A_177] : memref<2x32xi32, #tpu.memory_space<vmem>> -> memref<1x32xi32, #tpu.memory_space<vmem>>
        %dma_start3A_179 = tpu.memref_squeeze %dma_start3A_178 : memref<1x32xi32, #tpu.memory_space<vmem>> -> memref<32xi32, #tpu.memory_space<vmem>>
        %dma_start3A_180 = arith.constant 0 : i32
        %dma_start3A_181 = arith.constant 0 : i32
        %dma_start3A_182 = tpu.memref_slice %arg13[%dma_start3A_180, %dma_start3A_181] : memref<10000x128xf32, #tpu.memory_space<vmem_shared>> -> memref<10000x128xf32, #tpu.memory_space<vmem_shared>>
        tpu.enqueue_indirect_dma source(%dma_start3A_182 : memref<10000x128xf32, #tpu.memory_space<vmem_shared>>) target(%arg11 : memref<32x128xf32, #tpu.memory_space<vmem>>) offsets(%dma_start3A_179 : memref<32xi32, #tpu.memory_space<vmem>>) semaphore(%arg15 : memref<!tpu.dma_semaphore, #tpu.memory_space<semaphore_mem>>)
        %dma_wait3A_183 = arith.constant 1 : i32
        %dma_wait3A_184 = arith.constant 0 : i32
        %dma_wait3A_185 = tpu.memref_slice %arg7[%dma_wait3A_183, %dma_wait3A_184] : memref<2x32xi32, #tpu.memory_space<vmem>> -> memref<1x32xi32, #tpu.memory_space<vmem>>
        %dma_wait3A_186 = tpu.memref_squeeze %dma_wait3A_185 : memref<1x32xi32, #tpu.memory_space<vmem>> -> memref<32xi32, #tpu.memory_space<vmem>>
        %dma_wait3A_187 = arith.constant 0 : i32
        %dma_wait3A_188 = arith.constant 0 : i32
        %dma_wait3A_189 = tpu.memref_slice %arg13[%dma_wait3A_187, %dma_wait3A_188] : memref<10000x128xf32, #tpu.memory_space<vmem_shared>> -> memref<10000x128xf32, #tpu.memory_space<vmem_shared>>
        tpu.wait_indirect_dma semaphore(%arg16 : memref<!tpu.dma_semaphore, #tpu.memory_space<semaphore_mem>>) src(%dma_wait3A_189 : memref<10000x128xf32, #tpu.memory_space<vmem_shared>>) dst(%arg12 : memref<32x128xf32, #tpu.memory_space<vmem>>)
        %run_scoped3A_190 = arith.constant 1 : i32
        "tpu.region"() ({
          %run_scoped3A_264 = tpu.sem_alloc : memref<!tpu.dma_semaphore, #tpu.memory_space<semaphore_mem>>
          %dma_start3A_265 = arith.constant 0 : i32
          %dma_start3A_266 = tpu.memref_slice %arg8[%run_scoped3A_190, %dma_start3A_265] : memref<2x32xi32, #tpu.memory_space<vmem>> -> memref<1x32xi32, #tpu.memory_space<vmem>>
          %dma_start3A_267 = tpu.memref_squeeze %dma_start3A_266 : memref<1x32xi32, #tpu.memory_space<vmem>> -> memref<32xi32, #tpu.memory_space<vmem>>
          %dma_start3A_268 = arith.constant 0 : i32
          %dma_start3A_269 = arith.constant 0 : i32
          %dma_start3A_270 = tpu.memref_slice %arg14[%dma_start3A_268, %dma_start3A_269] : memref<5120x128xf32, #tpu.memory_space<vmem_shared>> -> memref<5120x128xf32, #tpu.memory_space<vmem_shared>>
          tpu.enqueue_indirect_dma source(%arg12 : memref<32x128xf32, #tpu.memory_space<vmem>>) target(%dma_start3A_270 : memref<5120x128xf32, #tpu.memory_space<vmem_shared>>) offsets(%dma_start3A_267 : memref<32xi32, #tpu.memory_space<vmem>>) semaphore(%run_scoped3A_264 : memref<!tpu.dma_semaphore, #tpu.memory_space<semaphore_mem>>) {add = true}
          %dma_wait3A_271 = arith.constant 0 : i32
          %dma_wait3A_272 = tpu.memref_slice %arg8[%run_scoped3A_190, %dma_wait3A_271] : memref<2x32xi32, #tpu.memory_space<vmem>> -> memref<1x32xi32, #tpu.memory_space<vmem>>
          %dma_wait3A_273 = tpu.memref_squeeze %dma_wait3A_272 : memref<1x32xi32, #tpu.memory_space<vmem>> -> memref<32xi32, #tpu.memory_space<vmem>>
          %dma_wait3A_274 = arith.constant 0 : i32
          %dma_wait3A_275 = arith.constant 0 : i32
          %dma_wait3A_276 = tpu.memref_slice %arg14[%dma_wait3A_274, %dma_wait3A_275] : memref<5120x128xf32, #tpu.memory_space<vmem_shared>> -> memref<5120x128xf32, #tpu.memory_space<vmem_shared>>
          tpu.wait_indirect_dma semaphore(%run_scoped3A_264 : memref<!tpu.dma_semaphore, #tpu.memory_space<semaphore_mem>>) src(%arg12 : memref<32x128xf32, #tpu.memory_space<vmem>>) dst(%dma_wait3A_276 : memref<5120x128xf32, #tpu.memory_space<vmem_shared>>)
          tpu.yield
        }) : () -> ()
        %dma_start3A_191 = arith.constant 1 : i32
        %dma_start3A_192 = arith.constant 0 : i32
        %dma_start3A_193 = tpu.memref_slice %arg9[%dma_start3A_191, %dma_start3A_192] : memref<2x32xi32, #tpu.memory_space<vmem>> -> memref<1x32xi32, #tpu.memory_space<vmem>>
        %dma_start3A_194 = tpu.memref_squeeze %dma_start3A_193 : memref<1x32xi32, #tpu.memory_space<vmem>> -> memref<32xi32, #tpu.memory_space<vmem>>
        %dma_start3A_195 = arith.constant 0 : i32
        %dma_start3A_196 = arith.constant 0 : i32
        %dma_start3A_197 = tpu.memref_slice %arg13[%dma_start3A_195, %dma_start3A_196] : memref<10000x128xf32, #tpu.memory_space<vmem_shared>> -> memref<10000x128xf32, #tpu.memory_space<vmem_shared>>
        tpu.enqueue_indirect_dma source(%dma_start3A_197 : memref<10000x128xf32, #tpu.memory_space<vmem_shared>>) target(%arg12 : memref<32x128xf32, #tpu.memory_space<vmem>>) offsets(%dma_start3A_194 : memref<32xi32, #tpu.memory_space<vmem>>) semaphore(%arg16 : memref<!tpu.dma_semaphore, #tpu.memory_space<semaphore_mem>>)
        %dma_start3A_198 = arith.constant 0 : i32
        %dma_start3A_199 = tpu.memref_slice %arg3[%arg1, %mul3A_146, %dma_start3A_198] : memref<16x640x32xi32, #tpu.memory_space<hbm>> -> memref<1x2x32xi32, #tpu.memory_space<hbm>>
        %dma_start3A_200 = tpu.memref_squeeze %dma_start3A_199 : memref<1x2x32xi32, #tpu.memory_space<hbm>> -> memref<2x32xi32, #tpu.memory_space<hbm>>
        %dma_start3A_201 = arith.constant 0 : i32
        %dma_start3A_202 = tpu.memref_slice %arg3[%arg1, %mul3A_146, %dma_start3A_201] : memref<16x640x32xi32, #tpu.memory_space<hbm>> -> memref<1x2x32xi32, #tpu.memory_space<hbm>>
        %dma_start3A_203 = tpu.memref_squeeze %dma_start3A_202 : memref<1x2x32xi32, #tpu.memory_space<hbm>> -> memref<2x32xi32, #tpu.memory_space<hbm>>
        tpu.enqueue_dma source(%dma_start3A_203 : memref<2x32xi32, #tpu.memory_space<hbm>>) target(%arg7 : memref<2x32xi32, #tpu.memory_space<vmem>>) target_semaphore(%arg17 : memref<!tpu.dma_semaphore, #tpu.memory_space<semaphore_mem>>)
        %dma_start3A_204 = arith.constant 0 : i32
        %dma_start3A_205 = tpu.memref_slice %arg4[%arg1, %mul3A_146, %dma_start3A_204] : memref<16x640x32xi32, #tpu.memory_space<hbm>> -> memref<1x2x32xi32, #tpu.memory_space<hbm>>
        %dma_start3A_206 = tpu.memref_squeeze %dma_start3A_205 : memref<1x2x32xi32, #tpu.memory_space<hbm>> -> memref<2x32xi32, #tpu.memory_space<hbm>>
        %dma_start3A_207 = arith.constant 0 : i32
        %dma_start3A_208 = tpu.memref_slice %arg4[%arg1, %mul3A_146, %dma_start3A_207] : memref<16x640x32xi32, #tpu.memory_space<hbm>> -> memref<1x2x32xi32, #tpu.memory_space<hbm>>
        %dma_start3A_209 = tpu.memref_squeeze %dma_start3A_208 : memref<1x2x32xi32, #tpu.memory_space<hbm>> -> memref<2x32xi32, #tpu.memory_space<hbm>>
        tpu.enqueue_dma source(%dma_start3A_209 : memref<2x32xi32, #tpu.memory_space<hbm>>) target(%arg8 : memref<2x32xi32, #tpu.memory_space<vmem>>) target_semaphore(%arg17 : memref<!tpu.dma_semaphore, #tpu.memory_space<semaphore_mem>>)
        %dma_wait3A_210 = arith.constant 0 : i32
        %dma_wait3A_211 = arith.constant 0 : i32
        %dma_wait3A_212 = tpu.memref_slice %arg9[%dma_wait3A_210, %dma_wait3A_211] : memref<2x32xi32, #tpu.memory_space<vmem>> -> memref<1x32xi32, #tpu.memory_space<vmem>>
        %dma_wait3A_213 = tpu.memref_squeeze %dma_wait3A_212 : memref<1x32xi32, #tpu.memory_space<vmem>> -> memref<32xi32, #tpu.memory_space<vmem>>
        %dma_wait3A_214 = arith.constant 0 : i32
        %dma_wait3A_215 = arith.constant 0 : i32
        %dma_wait3A_216 = tpu.memref_slice %arg13[%dma_wait3A_214, %dma_wait3A_215] : memref<10000x128xf32, #tpu.memory_space<vmem_shared>> -> memref<10000x128xf32, #tpu.memory_space<vmem_shared>>
        tpu.wait_indirect_dma semaphore(%arg15 : memref<!tpu.dma_semaphore, #tpu.memory_space<semaphore_mem>>) src(%dma_wait3A_216 : memref<10000x128xf32, #tpu.memory_space<vmem_shared>>) dst(%arg11 : memref<32x128xf32, #tpu.memory_space<vmem>>)
        %run_scoped3A_217 = arith.constant 0 : i32
        "tpu.region"() ({
          %run_scoped3A_264 = tpu.sem_alloc : memref<!tpu.dma_semaphore, #tpu.memory_space<semaphore_mem>>
          %dma_start3A_265 = arith.constant 0 : i32
          %dma_start3A_266 = tpu.memref_slice %arg10[%run_scoped3A_217, %dma_start3A_265] : memref<2x32xi32, #tpu.memory_space<vmem>> -> memref<1x32xi32, #tpu.memory_space<vmem>>
          %dma_start3A_267 = tpu.memref_squeeze %dma_start3A_266 : memref<1x32xi32, #tpu.memory_space<vmem>> -> memref<32xi32, #tpu.memory_space<vmem>>
          %dma_start3A_268 = arith.constant 0 : i32
          %dma_start3A_269 = arith.constant 0 : i32
          %dma_start3A_270 = tpu.memref_slice %arg14[%dma_start3A_268, %dma_start3A_269] : memref<5120x128xf32, #tpu.memory_space<vmem_shared>> -> memref<5120x128xf32, #tpu.memory_space<vmem_shared>>
          tpu.enqueue_indirect_dma source(%arg11 : memref<32x128xf32, #tpu.memory_space<vmem>>) target(%dma_start3A_270 : memref<5120x128xf32, #tpu.memory_space<vmem_shared>>) offsets(%dma_start3A_267 : memref<32xi32, #tpu.memory_space<vmem>>) semaphore(%run_scoped3A_264 : memref<!tpu.dma_semaphore, #tpu.memory_space<semaphore_mem>>) {add = true}
          %dma_wait3A_271 = arith.constant 0 : i32
          %dma_wait3A_272 = tpu.memref_slice %arg10[%run_scoped3A_217, %dma_wait3A_271] : memref<2x32xi32, #tpu.memory_space<vmem>> -> memref<1x32xi32, #tpu.memory_space<vmem>>
          %dma_wait3A_273 = tpu.memref_squeeze %dma_wait3A_272 : memref<1x32xi32, #tpu.memory_space<vmem>> -> memref<32xi32, #tpu.memory_space<vmem>>
          %dma_wait3A_274 = arith.constant 0 : i32
          %dma_wait3A_275 = arith.constant 0 : i32
          %dma_wait3A_276 = tpu.memref_slice %arg14[%dma_wait3A_274, %dma_wait3A_275] : memref<5120x128xf32, #tpu.memory_space<vmem_shared>> -> memref<5120x128xf32, #tpu.memory_space<vmem_shared>>
          tpu.wait_indirect_dma semaphore(%run_scoped3A_264 : memref<!tpu.dma_semaphore, #tpu.memory_space<semaphore_mem>>) src(%arg11 : memref<32x128xf32, #tpu.memory_space<vmem>>) dst(%dma_wait3A_276 : memref<5120x128xf32, #tpu.memory_space<vmem_shared>>)
          tpu.yield
        }) : () -> ()
        %dma_wait3A_218 = arith.constant 0 : i32
        %dma_wait3A_219 = tpu.memref_slice %arg3[%arg1, %mul3A_146, %dma_wait3A_218] : memref<16x640x32xi32, #tpu.memory_space<hbm>> -> memref<1x2x32xi32, #tpu.memory_space<hbm>>
        %dma_wait3A_220 = tpu.memref_squeeze %dma_wait3A_219 : memref<1x2x32xi32, #tpu.memory_space<hbm>> -> memref<2x32xi32, #tpu.memory_space<hbm>>
        %dma_wait3A_221 = arith.constant 0 : i32
        %dma_wait3A_222 = tpu.memref_slice %arg3[%arg1, %mul3A_146, %dma_wait3A_221] : memref<16x640x32xi32, #tpu.memory_space<hbm>> -> memref<1x2x32xi32, #tpu.memory_space<hbm>>
        %dma_wait3A_223 = tpu.memref_squeeze %dma_wait3A_222 : memref<1x2x32xi32, #tpu.memory_space<hbm>> -> memref<2x32xi32, #tpu.memory_space<hbm>>
        tpu.wait_dma2 semaphore(%arg17 : memref<!tpu.dma_semaphore, #tpu.memory_space<semaphore_mem>>) src(%dma_wait3A_223 : memref<2x32xi32, #tpu.memory_space<hbm>>) dst(%arg7 : memref<2x32xi32, #tpu.memory_space<vmem>>)
        %dma_wait3A_224 = arith.constant 0 : i32
        %dma_wait3A_225 = tpu.memref_slice %arg4[%arg1, %mul3A_146, %dma_wait3A_224] : memref<16x640x32xi32, #tpu.memory_space<hbm>> -> memref<1x2x32xi32, #tpu.memory_space<hbm>>
        %dma_wait3A_226 = tpu.memref_squeeze %dma_wait3A_225 : memref<1x2x32xi32, #tpu.memory_space<hbm>> -> memref<2x32xi32, #tpu.memory_space<hbm>>
        %dma_wait3A_227 = arith.constant 0 : i32
        %dma_wait3A_228 = tpu.memref_slice %arg4[%arg1, %mul3A_146, %dma_wait3A_227] : memref<16x640x32xi32, #tpu.memory_space<hbm>> -> memref<1x2x32xi32, #tpu.memory_space<hbm>>
        %dma_wait3A_229 = tpu.memref_squeeze %dma_wait3A_228 : memref<1x2x32xi32, #tpu.memory_space<hbm>> -> memref<2x32xi32, #tpu.memory_space<hbm>>
        tpu.wait_dma2 semaphore(%arg17 : memref<!tpu.dma_semaphore, #tpu.memory_space<semaphore_mem>>) src(%dma_wait3A_229 : memref<2x32xi32, #tpu.memory_space<hbm>>) dst(%arg8 : memref<2x32xi32, #tpu.memory_space<vmem>>)
        %dma_start3A_230 = arith.constant 0 : i32
        %dma_start3A_231 = arith.constant 0 : i32
        %dma_start3A_232 = tpu.memref_slice %arg7[%dma_start3A_230, %dma_start3A_231] : memref<2x32xi32, #tpu.memory_space<vmem>> -> memref<1x32xi32, #tpu.memory_space<vmem>>
        %dma_start3A_233 = tpu.memref_squeeze %dma_start3A_232 : memref<1x32xi32, #tpu.memory_space<vmem>> -> memref<32xi32, #tpu.memory_space<vmem>>
        %dma_start3A_234 = arith.constant 0 : i32
        %dma_start3A_235 = arith.constant 0 : i32
        %dma_start3A_236 = tpu.memref_slice %arg13[%dma_start3A_234, %dma_start3A_235] : memref<10000x128xf32, #tpu.memory_space<vmem_shared>> -> memref<10000x128xf32, #tpu.memory_space<vmem_shared>>
        tpu.enqueue_indirect_dma source(%dma_start3A_236 : memref<10000x128xf32, #tpu.memory_space<vmem_shared>>) target(%arg11 : memref<32x128xf32, #tpu.memory_space<vmem>>) offsets(%dma_start3A_233 : memref<32xi32, #tpu.memory_space<vmem>>) semaphore(%arg15 : memref<!tpu.dma_semaphore, #tpu.memory_space<semaphore_mem>>)
        %dma_wait3A_237 = arith.constant 1 : i32
        %dma_wait3A_238 = arith.constant 0 : i32
        %dma_wait3A_239 = tpu.memref_slice %arg9[%dma_wait3A_237, %dma_wait3A_238] : memref<2x32xi32, #tpu.memory_space<vmem>> -> memref<1x32xi32, #tpu.memory_space<vmem>>
        %dma_wait3A_240 = tpu.memref_squeeze %dma_wait3A_239 : memref<1x32xi32, #tpu.memory_space<vmem>> -> memref<32xi32, #tpu.memory_space<vmem>>
        %dma_wait3A_241 = arith.constant 0 : i32
        %dma_wait3A_242 = arith.constant 0 : i32
        %dma_wait3A_243 = tpu.memref_slice %arg13[%dma_wait3A_241, %dma_wait3A_242] : memref<10000x128xf32, #tpu.memory_space<vmem_shared>> -> memref<10000x128xf32, #tpu.memory_space<vmem_shared>>
        tpu.wait_indirect_dma semaphore(%arg16 : memref<!tpu.dma_semaphore, #tpu.memory_space<semaphore_mem>>) src(%dma_wait3A_243 : memref<10000x128xf32, #tpu.memory_space<vmem_shared>>) dst(%arg12 : memref<32x128xf32, #tpu.memory_space<vmem>>)
        %run_scoped3A_244 = arith.constant 1 : i32
        "tpu.region"() ({
          %run_scoped3A_264 = tpu.sem_alloc : memref<!tpu.dma_semaphore, #tpu.memory_space<semaphore_mem>>
          %dma_start3A_265 = arith.constant 0 : i32
          %dma_start3A_266 = tpu.memref_slice %arg10[%run_scoped3A_244, %dma_start3A_265] : memref<2x32xi32, #tpu.memory_space<vmem>> -> memref<1x32xi32, #tpu.memory_space<vmem>>
          %dma_start3A_267 = tpu.memref_squeeze %dma_start3A_266 : memref<1x32xi32, #tpu.memory_space<vmem>> -> memref<32xi32, #tpu.memory_space<vmem>>
          %dma_start3A_268 = arith.constant 0 : i32
          %dma_start3A_269 = arith.constant 0 : i32
          %dma_start3A_270 = tpu.memref_slice %arg14[%dma_start3A_268, %dma_start3A_269] : memref<5120x128xf32, #tpu.memory_space<vmem_shared>> -> memref<5120x128xf32, #tpu.memory_space<vmem_shared>>
          tpu.enqueue_indirect_dma source(%arg12 : memref<32x128xf32, #tpu.memory_space<vmem>>) target(%dma_start3A_270 : memref<5120x128xf32, #tpu.memory_space<vmem_shared>>) offsets(%dma_start3A_267 : memref<32xi32, #tpu.memory_space<vmem>>) semaphore(%run_scoped3A_264 : memref<!tpu.dma_semaphore, #tpu.memory_space<semaphore_mem>>) {add = true}
          %dma_wait3A_271 = arith.constant 0 : i32
          %dma_wait3A_272 = tpu.memref_slice %arg10[%run_scoped3A_244, %dma_wait3A_271] : memref<2x32xi32, #tpu.memory_space<vmem>> -> memref<1x32xi32, #tpu.memory_space<vmem>>
          %dma_wait3A_273 = tpu.memref_squeeze %dma_wait3A_272 : memref<1x32xi32, #tpu.memory_space<vmem>> -> memref<32xi32, #tpu.memory_space<vmem>>
          %dma_wait3A_274 = arith.constant 0 : i32
          %dma_wait3A_275 = arith.constant 0 : i32
          %dma_wait3A_276 = tpu.memref_slice %arg14[%dma_wait3A_274, %dma_wait3A_275] : memref<5120x128xf32, #tpu.memory_space<vmem_shared>> -> memref<5120x128xf32, #tpu.memory_space<vmem_shared>>
          tpu.wait_indirect_dma semaphore(%run_scoped3A_264 : memref<!tpu.dma_semaphore, #tpu.memory_space<semaphore_mem>>) src(%arg12 : memref<32x128xf32, #tpu.memory_space<vmem>>) dst(%dma_wait3A_276 : memref<5120x128xf32, #tpu.memory_space<vmem_shared>>)
          tpu.yield
        }) : () -> ()
        %dma_start3A_245 = arith.constant 1 : i32
        %dma_start3A_246 = arith.constant 0 : i32
        %dma_start3A_247 = tpu.memref_slice %arg7[%dma_start3A_245, %dma_start3A_246] : memref<2x32xi32, #tpu.memory_space<vmem>> -> memref<1x32xi32, #tpu.memory_space<vmem>>
        %dma_start3A_248 = tpu.memref_squeeze %dma_start3A_247 : memref<1x32xi32, #tpu.memory_space<vmem>> -> memref<32xi32, #tpu.memory_space<vmem>>
        %dma_start3A_249 = arith.constant 0 : i32
        %dma_start3A_250 = arith.constant 0 : i32
        %dma_start3A_251 = tpu.memref_slice %arg13[%dma_start3A_249, %dma_start3A_250] : memref<10000x128xf32, #tpu.memory_space<vmem_shared>> -> memref<10000x128xf32, #tpu.memory_space<vmem_shared>>
        tpu.enqueue_indirect_dma source(%dma_start3A_251 : memref<10000x128xf32, #tpu.memory_space<vmem_shared>>) target(%arg12 : memref<32x128xf32, #tpu.memory_space<vmem>>) offsets(%dma_start3A_248 : memref<32xi32, #tpu.memory_space<vmem>>) semaphore(%arg16 : memref<!tpu.dma_semaphore, #tpu.memory_space<semaphore_mem>>)
        %dma_start3A_252 = arith.constant 0 : i32
        %dma_start3A_253 = tpu.memref_slice %arg3[%arg1, %mul3A_152, %dma_start3A_252] : memref<16x640x32xi32, #tpu.memory_space<hbm>> -> memref<1x2x32xi32, #tpu.memory_space<hbm>>
        %dma_start3A_254 = tpu.memref_squeeze %dma_start3A_253 : memref<1x2x32xi32, #tpu.memory_space<hbm>> -> memref<2x32xi32, #tpu.memory_space<hbm>>
        %dma_start3A_255 = arith.constant 0 : i32
        %dma_start3A_256 = tpu.memref_slice %arg3[%arg1, %mul3A_152, %dma_start3A_255] : memref<16x640x32xi32, #tpu.memory_space<hbm>> -> memref<1x2x32xi32, #tpu.memory_space<hbm>>
        %dma_start3A_257 = tpu.memref_squeeze %dma_start3A_256 : memref<1x2x32xi32, #tpu.memory_space<hbm>> -> memref<2x32xi32, #tpu.memory_space<hbm>>
        tpu.enqueue_dma source(%dma_start3A_257 : memref<2x32xi32, #tpu.memory_space<hbm>>) target(%arg9 : memref<2x32xi32, #tpu.memory_space<vmem>>) target_semaphore(%arg18 : memref<!tpu.dma_semaphore, #tpu.memory_space<semaphore_mem>>)
        %dma_start3A_258 = arith.constant 0 : i32
        %dma_start3A_259 = tpu.memref_slice %arg4[%arg1, %mul3A_152, %dma_start3A_258] : memref<16x640x32xi32, #tpu.memory_space<hbm>> -> memref<1x2x32xi32, #tpu.memory_space<hbm>>
        %dma_start3A_260 = tpu.memref_squeeze %dma_start3A_259 : memref<1x2x32xi32, #tpu.memory_space<hbm>> -> memref<2x32xi32, #tpu.memory_space<hbm>>
        %dma_start3A_261 = arith.constant 0 : i32
        %dma_start3A_262 = tpu.memref_slice %arg4[%arg1, %mul3A_152, %dma_start3A_261] : memref<16x640x32xi32, #tpu.memory_space<hbm>> -> memref<1x2x32xi32, #tpu.memory_space<hbm>>
        %dma_start3A_263 = tpu.memref_squeeze %dma_start3A_262 : memref<1x2x32xi32, #tpu.memory_space<hbm>> -> memref<2x32xi32, #tpu.memory_space<hbm>>
        tpu.enqueue_dma source(%dma_start3A_263 : memref<2x32xi32, #tpu.memory_space<hbm>>) target(%arg10 : memref<2x32xi32, #tpu.memory_space<vmem>>) target_semaphore(%arg18 : memref<!tpu.dma_semaphore, #tpu.memory_space<semaphore_mem>>)
      }
      %scan3A_79 = arith.constant 159 : i32
      %dma_wait3A = arith.constant 0 : i32
      %dma_wait3A_80 = arith.constant 0 : i32
      %dma_wait3A_81 = tpu.memref_slice %arg7[%dma_wait3A, %dma_wait3A_80] : memref<2x32xi32, #tpu.memory_space<vmem>> -> memref<1x32xi32, #tpu.memory_space<vmem>>
      %dma_wait3A_82 = tpu.memref_squeeze %dma_wait3A_81 : memref<1x32xi32, #tpu.memory_space<vmem>> -> memref<32xi32, #tpu.memory_space<vmem>>
      %dma_wait3A_83 = arith.constant 0 : i32
      %dma_wait3A_84 = arith.constant 0 : i32
      %dma_wait3A_85 = tpu.memref_slice %arg13[%dma_wait3A_83, %dma_wait3A_84] : memref<10000x128xf32, #tpu.memory_space<vmem_shared>> -> memref<10000x128xf32, #tpu.memory_space<vmem_shared>>
      tpu.wait_indirect_dma semaphore(%arg15 : memref<!tpu.dma_semaphore, #tpu.memory_space<semaphore_mem>>) src(%dma_wait3A_85 : memref<10000x128xf32, #tpu.memory_space<vmem_shared>>) dst(%arg11 : memref<32x128xf32, #tpu.memory_space<vmem>>)
      %run_scoped3A = arith.constant 0 : i32
      "tpu.region"() ({
        %run_scoped3A_140 = tpu.sem_alloc : memref<!tpu.dma_semaphore, #tpu.memory_space<semaphore_mem>>
        %dma_start3A_141 = arith.constant 0 : i32
        %dma_start3A_142 = tpu.memref_slice %arg8[%run_scoped3A, %dma_start3A_141] : memref<2x32xi32, #tpu.memory_space<vmem>> -> memref<1x32xi32, #tpu.memory_space<vmem>>
        %dma_start3A_143 = tpu.memref_squeeze %dma_start3A_142 : memref<1x32xi32, #tpu.memory_space<vmem>> -> memref<32xi32, #tpu.memory_space<vmem>>
        %dma_start3A_144 = arith.constant 0 : i32
        %dma_start3A_145 = arith.constant 0 : i32
        %dma_start3A_146 = tpu.memref_slice %arg14[%dma_start3A_144, %dma_start3A_145] : memref<5120x128xf32, #tpu.memory_space<vmem_shared>> -> memref<5120x128xf32, #tpu.memory_space<vmem_shared>>
        tpu.enqueue_indirect_dma source(%arg11 : memref<32x128xf32, #tpu.memory_space<vmem>>) target(%dma_start3A_146 : memref<5120x128xf32, #tpu.memory_space<vmem_shared>>) offsets(%dma_start3A_143 : memref<32xi32, #tpu.memory_space<vmem>>) semaphore(%run_scoped3A_140 : memref<!tpu.dma_semaphore, #tpu.memory_space<semaphore_mem>>) {add = true}
        %dma_wait3A_147 = arith.constant 0 : i32
        %dma_wait3A_148 = tpu.memref_slice %arg8[%run_scoped3A, %dma_wait3A_147] : memref<2x32xi32, #tpu.memory_space<vmem>> -> memref<1x32xi32, #tpu.memory_space<vmem>>
        %dma_wait3A_149 = tpu.memref_squeeze %dma_wait3A_148 : memref<1x32xi32, #tpu.memory_space<vmem>> -> memref<32xi32, #tpu.memory_space<vmem>>
        %dma_wait3A_150 = arith.constant 0 : i32
        %dma_wait3A_151 = arith.constant 0 : i32
        %dma_wait3A_152 = tpu.memref_slice %arg14[%dma_wait3A_150, %dma_wait3A_151] : memref<5120x128xf32, #tpu.memory_space<vmem_shared>> -> memref<5120x128xf32, #tpu.memory_space<vmem_shared>>
        tpu.wait_indirect_dma semaphore(%run_scoped3A_140 : memref<!tpu.dma_semaphore, #tpu.memory_space<semaphore_mem>>) src(%arg11 : memref<32x128xf32, #tpu.memory_space<vmem>>) dst(%dma_wait3A_152 : memref<5120x128xf32, #tpu.memory_space<vmem_shared>>)
        tpu.yield
      }) : () -> ()
      %dma_wait3A_86 = arith.constant 638 : i32
      %dma_wait3A_87 = arith.constant 0 : i32
      %dma_wait3A_88 = tpu.memref_slice %arg3[%arg1, %dma_wait3A_86, %dma_wait3A_87] : memref<16x640x32xi32, #tpu.memory_space<hbm>> -> memref<1x2x32xi32, #tpu.memory_space<hbm>>
      %dma_wait3A_89 = tpu.memref_squeeze %dma_wait3A_88 : memref<1x2x32xi32, #tpu.memory_space<hbm>> -> memref<2x32xi32, #tpu.memory_space<hbm>>
      %dma_wait3A_90 = arith.constant 638 : i32
      %dma_wait3A_91 = arith.constant 0 : i32
      %dma_wait3A_92 = tpu.memref_slice %arg3[%arg1, %dma_wait3A_90, %dma_wait3A_91] : memref<16x640x32xi32, #tpu.memory_space<hbm>> -> memref<1x2x32xi32, #tpu.memory_space<hbm>>
      %dma_wait3A_93 = tpu.memref_squeeze %dma_wait3A_92 : memref<1x2x32xi32, #tpu.memory_space<hbm>> -> memref<2x32xi32, #tpu.memory_space<hbm>>
      tpu.wait_dma2 semaphore(%arg18 : memref<!tpu.dma_semaphore, #tpu.memory_space<semaphore_mem>>) src(%dma_wait3A_93 : memref<2x32xi32, #tpu.memory_space<hbm>>) dst(%arg9 : memref<2x32xi32, #tpu.memory_space<vmem>>)
      %dma_wait3A_94 = arith.constant 638 : i32
      %dma_wait3A_95 = arith.constant 0 : i32
      %dma_wait3A_96 = tpu.memref_slice %arg4[%arg1, %dma_wait3A_94, %dma_wait3A_95] : memref<16x640x32xi32, #tpu.memory_space<hbm>> -> memref<1x2x32xi32, #tpu.memory_space<hbm>>
      %dma_wait3A_97 = tpu.memref_squeeze %dma_wait3A_96 : memref<1x2x32xi32, #tpu.memory_space<hbm>> -> memref<2x32xi32, #tpu.memory_space<hbm>>
      %dma_wait3A_98 = arith.constant 638 : i32
      %dma_wait3A_99 = arith.constant 0 : i32
      %dma_wait3A_100 = tpu.memref_slice %arg4[%arg1, %dma_wait3A_98, %dma_wait3A_99] : memref<16x640x32xi32, #tpu.memory_space<hbm>> -> memref<1x2x32xi32, #tpu.memory_space<hbm>>
      %dma_wait3A_101 = tpu.memref_squeeze %dma_wait3A_100 : memref<1x2x32xi32, #tpu.memory_space<hbm>> -> memref<2x32xi32, #tpu.memory_space<hbm>>
      tpu.wait_dma2 semaphore(%arg18 : memref<!tpu.dma_semaphore, #tpu.memory_space<semaphore_mem>>) src(%dma_wait3A_101 : memref<2x32xi32, #tpu.memory_space<hbm>>) dst(%arg10 : memref<2x32xi32, #tpu.memory_space<vmem>>)
      %dma_start3A_102 = arith.constant 0 : i32
      %dma_start3A_103 = arith.constant 0 : i32
      %dma_start3A_104 = tpu.memref_slice %arg9[%dma_start3A_102, %dma_start3A_103] : memref<2x32xi32, #tpu.memory_space<vmem>> -> memref<1x32xi32, #tpu.memory_space<vmem>>
      %dma_start3A_105 = tpu.memref_squeeze %dma_start3A_104 : memref<1x32xi32, #tpu.memory_space<vmem>> -> memref<32xi32, #tpu.memory_space<vmem>>
      %dma_start3A_106 = arith.constant 0 : i32
      %dma_start3A_107 = arith.constant 0 : i32
      %dma_start3A_108 = tpu.memref_slice %arg13[%dma_start3A_106, %dma_start3A_107] : memref<10000x128xf32, #tpu.memory_space<vmem_shared>> -> memref<10000x128xf32, #tpu.memory_space<vmem_shared>>
      tpu.enqueue_indirect_dma source(%dma_start3A_108 : memref<10000x128xf32, #tpu.memory_space<vmem_shared>>) target(%arg11 : memref<32x128xf32, #tpu.memory_space<vmem>>) offsets(%dma_start3A_105 : memref<32xi32, #tpu.memory_space<vmem>>) semaphore(%arg15 : memref<!tpu.dma_semaphore, #tpu.memory_space<semaphore_mem>>)
      %dma_wait3A_109 = arith.constant 1 : i32
      %dma_wait3A_110 = arith.constant 0 : i32
      %dma_wait3A_111 = tpu.memref_slice %arg7[%dma_wait3A_109, %dma_wait3A_110] : memref<2x32xi32, #tpu.memory_space<vmem>> -> memref<1x32xi32, #tpu.memory_space<vmem>>
      %dma_wait3A_112 = tpu.memref_squeeze %dma_wait3A_111 : memref<1x32xi32, #tpu.memory_space<vmem>> -> memref<32xi32, #tpu.memory_space<vmem>>
      %dma_wait3A_113 = arith.constant 0 : i32
      %dma_wait3A_114 = arith.constant 0 : i32
      %dma_wait3A_115 = tpu.memref_slice %arg13[%dma_wait3A_113, %dma_wait3A_114] : memref<10000x128xf32, #tpu.memory_space<vmem_shared>> -> memref<10000x128xf32, #tpu.memory_space<vmem_shared>>
      tpu.wait_indirect_dma semaphore(%arg16 : memref<!tpu.dma_semaphore, #tpu.memory_space<semaphore_mem>>) src(%dma_wait3A_115 : memref<10000x128xf32, #tpu.memory_space<vmem_shared>>) dst(%arg12 : memref<32x128xf32, #tpu.memory_space<vmem>>)
      %run_scoped3A_116 = arith.constant 1 : i32
      "tpu.region"() ({
        %run_scoped3A_140 = tpu.sem_alloc : memref<!tpu.dma_semaphore, #tpu.memory_space<semaphore_mem>>
        %dma_start3A_141 = arith.constant 0 : i32
        %dma_start3A_142 = tpu.memref_slice %arg8[%run_scoped3A_116, %dma_start3A_141] : memref<2x32xi32, #tpu.memory_space<vmem>> -> memref<1x32xi32, #tpu.memory_space<vmem>>
        %dma_start3A_143 = tpu.memref_squeeze %dma_start3A_142 : memref<1x32xi32, #tpu.memory_space<vmem>> -> memref<32xi32, #tpu.memory_space<vmem>>
        %dma_start3A_144 = arith.constant 0 : i32
        %dma_start3A_145 = arith.constant 0 : i32
        %dma_start3A_146 = tpu.memref_slice %arg14[%dma_start3A_144, %dma_start3A_145] : memref<5120x128xf32, #tpu.memory_space<vmem_shared>> -> memref<5120x128xf32, #tpu.memory_space<vmem_shared>>
        tpu.enqueue_indirect_dma source(%arg12 : memref<32x128xf32, #tpu.memory_space<vmem>>) target(%dma_start3A_146 : memref<5120x128xf32, #tpu.memory_space<vmem_shared>>) offsets(%dma_start3A_143 : memref<32xi32, #tpu.memory_space<vmem>>) semaphore(%run_scoped3A_140 : memref<!tpu.dma_semaphore, #tpu.memory_space<semaphore_mem>>) {add = true}
        %dma_wait3A_147 = arith.constant 0 : i32
        %dma_wait3A_148 = tpu.memref_slice %arg8[%run_scoped3A_116, %dma_wait3A_147] : memref<2x32xi32, #tpu.memory_space<vmem>> -> memref<1x32xi32, #tpu.memory_space<vmem>>
        %dma_wait3A_149 = tpu.memref_squeeze %dma_wait3A_148 : memref<1x32xi32, #tpu.memory_space<vmem>> -> memref<32xi32, #tpu.memory_space<vmem>>
        %dma_wait3A_150 = arith.constant 0 : i32
        %dma_wait3A_151 = arith.constant 0 : i32
        %dma_wait3A_152 = tpu.memref_slice %arg14[%dma_wait3A_150, %dma_wait3A_151] : memref<5120x128xf32, #tpu.memory_space<vmem_shared>> -> memref<5120x128xf32, #tpu.memory_space<vmem_shared>>
        tpu.wait_indirect_dma semaphore(%run_scoped3A_140 : memref<!tpu.dma_semaphore, #tpu.memory_space<semaphore_mem>>) src(%arg12 : memref<32x128xf32, #tpu.memory_space<vmem>>) dst(%dma_wait3A_152 : memref<5120x128xf32, #tpu.memory_space<vmem_shared>>)
        tpu.yield
      }) : () -> ()
      %dma_start3A_117 = arith.constant 1 : i32
      %dma_start3A_118 = arith.constant 0 : i32
      %dma_start3A_119 = tpu.memref_slice %arg9[%dma_start3A_117, %dma_start3A_118] : memref<2x32xi32, #tpu.memory_space<vmem>> -> memref<1x32xi32, #tpu.memory_space<vmem>>
      %dma_start3A_120 = tpu.memref_squeeze %dma_start3A_119 : memref<1x32xi32, #tpu.memory_space<vmem>> -> memref<32xi32, #tpu.memory_space<vmem>>
      %dma_start3A_121 = arith.constant 0 : i32
      %dma_start3A_122 = arith.constant 0 : i32
      %dma_start3A_123 = tpu.memref_slice %arg13[%dma_start3A_121, %dma_start3A_122] : memref<10000x128xf32, #tpu.memory_space<vmem_shared>> -> memref<10000x128xf32, #tpu.memory_space<vmem_shared>>
      tpu.enqueue_indirect_dma source(%dma_start3A_123 : memref<10000x128xf32, #tpu.memory_space<vmem_shared>>) target(%arg12 : memref<32x128xf32, #tpu.memory_space<vmem>>) offsets(%dma_start3A_120 : memref<32xi32, #tpu.memory_space<vmem>>) semaphore(%arg16 : memref<!tpu.dma_semaphore, #tpu.memory_space<semaphore_mem>>)
      %dma_wait3A_124 = arith.constant 0 : i32
      %dma_wait3A_125 = arith.constant 0 : i32
      %dma_wait3A_126 = tpu.memref_slice %arg9[%dma_wait3A_124, %dma_wait3A_125] : memref<2x32xi32, #tpu.memory_space<vmem>> -> memref<1x32xi32, #tpu.memory_space<vmem>>
      %dma_wait3A_127 = tpu.memref_squeeze %dma_wait3A_126 : memref<1x32xi32, #tpu.memory_space<vmem>> -> memref<32xi32, #tpu.memory_space<vmem>>
      %dma_wait3A_128 = arith.constant 0 : i32
      %dma_wait3A_129 = arith.constant 0 : i32
      %dma_wait3A_130 = tpu.memref_slice %arg13[%dma_wait3A_128, %dma_wait3A_129] : memref<10000x128xf32, #tpu.memory_space<vmem_shared>> -> memref<10000x128xf32, #tpu.memory_space<vmem_shared>>
      tpu.wait_indirect_dma semaphore(%arg15 : memref<!tpu.dma_semaphore, #tpu.memory_space<semaphore_mem>>) src(%dma_wait3A_130 : memref<10000x128xf32, #tpu.memory_space<vmem_shared>>) dst(%arg11 : memref<32x128xf32, #tpu.memory_space<vmem>>)
      %run_scoped3A_131 = arith.constant 0 : i32
      "tpu.region"() ({
        %run_scoped3A_140 = tpu.sem_alloc : memref<!tpu.dma_semaphore, #tpu.memory_space<semaphore_mem>>
        %dma_start3A_141 = arith.constant 0 : i32
        %dma_start3A_142 = tpu.memref_slice %arg10[%run_scoped3A_131, %dma_start3A_141] : memref<2x32xi32, #tpu.memory_space<vmem>> -> memref<1x32xi32, #tpu.memory_space<vmem>>
        %dma_start3A_143 = tpu.memref_squeeze %dma_start3A_142 : memref<1x32xi32, #tpu.memory_space<vmem>> -> memref<32xi32, #tpu.memory_space<vmem>>
        %dma_start3A_144 = arith.constant 0 : i32
        %dma_start3A_145 = arith.constant 0 : i32
        %dma_start3A_146 = tpu.memref_slice %arg14[%dma_start3A_144, %dma_start3A_145] : memref<5120x128xf32, #tpu.memory_space<vmem_shared>> -> memref<5120x128xf32, #tpu.memory_space<vmem_shared>>
        tpu.enqueue_indirect_dma source(%arg11 : memref<32x128xf32, #tpu.memory_space<vmem>>) target(%dma_start3A_146 : memref<5120x128xf32, #tpu.memory_space<vmem_shared>>) offsets(%dma_start3A_143 : memref<32xi32, #tpu.memory_space<vmem>>) semaphore(%run_scoped3A_140 : memref<!tpu.dma_semaphore, #tpu.memory_space<semaphore_mem>>) {add = true}
        %dma_wait3A_147 = arith.constant 0 : i32
        %dma_wait3A_148 = tpu.memref_slice %arg10[%run_scoped3A_131, %dma_wait3A_147] : memref<2x32xi32, #tpu.memory_space<vmem>> -> memref<1x32xi32, #tpu.memory_space<vmem>>
        %dma_wait3A_149 = tpu.memref_squeeze %dma_wait3A_148 : memref<1x32xi32, #tpu.memory_space<vmem>> -> memref<32xi32, #tpu.memory_space<vmem>>
        %dma_wait3A_150 = arith.constant 0 : i32
        %dma_wait3A_151 = arith.constant 0 : i32
        %dma_wait3A_152 = tpu.memref_slice %arg14[%dma_wait3A_150, %dma_wait3A_151] : memref<5120x128xf32, #tpu.memory_space<vmem_shared>> -> memref<5120x128xf32, #tpu.memory_space<vmem_shared>>
        tpu.wait_indirect_dma semaphore(%run_scoped3A_140 : memref<!tpu.dma_semaphore, #tpu.memory_space<semaphore_mem>>) src(%arg11 : memref<32x128xf32, #tpu.memory_space<vmem>>) dst(%dma_wait3A_152 : memref<5120x128xf32, #tpu.memory_space<vmem_shared>>)
        tpu.yield
      }) : () -> ()
      %dma_wait3A_132 = arith.constant 1 : i32
      %dma_wait3A_133 = arith.constant 0 : i32
      %dma_wait3A_134 = tpu.memref_slice %arg9[%dma_wait3A_132, %dma_wait3A_133] : memref<2x32xi32, #tpu.memory_space<vmem>> -> memref<1x32xi32, #tpu.memory_space<vmem>>
      %dma_wait3A_135 = tpu.memref_squeeze %dma_wait3A_134 : memref<1x32xi32, #tpu.memory_space<vmem>> -> memref<32xi32, #tpu.memory_space<vmem>>
      %dma_wait3A_136 = arith.constant 0 : i32
      %dma_wait3A_137 = arith.constant 0 : i32
      %dma_wait3A_138 = tpu.memref_slice %arg13[%dma_wait3A_136, %dma_wait3A_137] : memref<10000x128xf32, #tpu.memory_space<vmem_shared>> -> memref<10000x128xf32, #tpu.memory_space<vmem_shared>>
      tpu.wait_indirect_dma semaphore(%arg16 : memref<!tpu.dma_semaphore, #tpu.memory_space<semaphore_mem>>) src(%dma_wait3A_138 : memref<10000x128xf32, #tpu.memory_space<vmem_shared>>) dst(%arg12 : memref<32x128xf32, #tpu.memory_space<vmem>>)
      %run_scoped3A_139 = arith.constant 1 : i32
      "tpu.region"() ({
        %run_scoped3A_140 = tpu.sem_alloc : memref<!tpu.dma_semaphore, #tpu.memory_space<semaphore_mem>>
        %dma_start3A_141 = arith.constant 0 : i32
        %dma_start3A_142 = tpu.memref_slice %arg10[%run_scoped3A_139, %dma_start3A_141] : memref<2x32xi32, #tpu.memory_space<vmem>> -> memref<1x32xi32, #tpu.memory_space<vmem>>
        %dma_start3A_143 = tpu.memref_squeeze %dma_start3A_142 : memref<1x32xi32, #tpu.memory_space<vmem>> -> memref<32xi32, #tpu.memory_space<vmem>>
        %dma_start3A_144 = arith.constant 0 : i32
        %dma_start3A_145 = arith.constant 0 : i32
        %dma_start3A_146 = tpu.memref_slice %arg14[%dma_start3A_144, %dma_start3A_145] : memref<5120x128xf32, #tpu.memory_space<vmem_shared>> -> memref<5120x128xf32, #tpu.memory_space<vmem_shared>>
        tpu.enqueue_indirect_dma source(%arg12 : memref<32x128xf32, #tpu.memory_space<vmem>>) target(%dma_start3A_146 : memref<5120x128xf32, #tpu.memory_space<vmem_shared>>) offsets(%dma_start3A_143 : memref<32xi32, #tpu.memory_space<vmem>>) semaphore(%run_scoped3A_140 : memref<!tpu.dma_semaphore, #tpu.memory_space<semaphore_mem>>) {add = true}
        %dma_wait3A_147 = arith.constant 0 : i32
        %dma_wait3A_148 = tpu.memref_slice %arg10[%run_scoped3A_139, %dma_wait3A_147] : memref<2x32xi32, #tpu.memory_space<vmem>> -> memref<1x32xi32, #tpu.memory_space<vmem>>
        %dma_wait3A_149 = tpu.memref_squeeze %dma_wait3A_148 : memref<1x32xi32, #tpu.memory_space<vmem>> -> memref<32xi32, #tpu.memory_space<vmem>>
        %dma_wait3A_150 = arith.constant 0 : i32
        %dma_wait3A_151 = arith.constant 0 : i32
        %dma_wait3A_152 = tpu.memref_slice %arg14[%dma_wait3A_150, %dma_wait3A_151] : memref<5120x128xf32, #tpu.memory_space<vmem_shared>> -> memref<5120x128xf32, #tpu.memory_space<vmem_shared>>
        tpu.wait_indirect_dma semaphore(%run_scoped3A_140 : memref<!tpu.dma_semaphore, #tpu.memory_space<semaphore_mem>>) src(%arg12 : memref<32x128xf32, #tpu.memory_space<vmem>>) dst(%dma_wait3A_152 : memref<5120x128xf32, #tpu.memory_space<vmem_shared>>)
        tpu.yield
      }) : () -> ()
    } else {
    }
    %eq3A_39 = arith.constant 1 : i32
    %eq3A_40 = arith.cmpi eq, %arg0, %eq3A_39 : i32
    %convert_element_type3A_41 = arith.extui %eq3A_40 : i1 to i32
    %cond3A_42 = arith.constant 0 : i32
    %cond3A_43 = arith.cmpi ne, %convert_element_type3A_41, %cond3A_42 : i32
    scf.if %cond3A_43 {
      "tpu.region"() ({
        %run_scoped3A_140 = tpu.sem_alloc : memref<!tpu.dma_semaphore, #tpu.memory_space<semaphore_mem>>
        %dma_start3A_141 = arith.constant 0 : i32
        %dma_start3A_142 = arith.constant 0 : i32
        %dma_start3A_143 = tpu.memref_slice %arg3[%arg1, %dma_start3A_141, %dma_start3A_142] : memref<16x640x32xi32, #tpu.memory_space<hbm>> -> memref<1x2x32xi32, #tpu.memory_space<hbm>>
        %dma_start3A_144 = tpu.memref_squeeze %dma_start3A_143 : memref<1x2x32xi32, #tpu.memory_space<hbm>> -> memref<2x32xi32, #tpu.memory_space<hbm>>
        %dma_start3A_145 = arith.constant 0 : i32
        %dma_start3A_146 = arith.constant 0 : i32
        %dma_start3A_147 = tpu.memref_slice %arg3[%arg1, %dma_start3A_145, %dma_start3A_146] : memref<16x640x32xi32, #tpu.memory_space<hbm>> -> memref<1x2x32xi32, #tpu.memory_space<hbm>>
        %dma_start3A_148 = tpu.memref_squeeze %dma_start3A_147 : memref<1x2x32xi32, #tpu.memory_space<hbm>> -> memref<2x32xi32, #tpu.memory_space<hbm>>
        tpu.enqueue_dma source(%dma_start3A_148 : memref<2x32xi32, #tpu.memory_space<hbm>>) target(%arg7 : memref<2x32xi32, #tpu.memory_space<vmem>>) target_semaphore(%run_scoped3A_140 : memref<!tpu.dma_semaphore, #tpu.memory_space<semaphore_mem>>)
        %dma_wait3A_149 = arith.constant 0 : i32
        %dma_wait3A_150 = arith.constant 0 : i32
        %dma_wait3A_151 = tpu.memref_slice %arg3[%arg1, %dma_wait3A_149, %dma_wait3A_150] : memref<16x640x32xi32, #tpu.memory_space<hbm>> -> memref<1x2x32xi32, #tpu.memory_space<hbm>>
        %dma_wait3A_152 = tpu.memref_squeeze %dma_wait3A_151 : memref<1x2x32xi32, #tpu.memory_space<hbm>> -> memref<2x32xi32, #tpu.memory_space<hbm>>
        %dma_wait3A_153 = arith.constant 0 : i32
        %dma_wait3A_154 = arith.constant 0 : i32
        %dma_wait3A_155 = tpu.memref_slice %arg3[%arg1, %dma_wait3A_153, %dma_wait3A_154] : memref<16x640x32xi32, #tpu.memory_space<hbm>> -> memref<1x2x32xi32, #tpu.memory_space<hbm>>
        %dma_wait3A_156 = tpu.memref_squeeze %dma_wait3A_155 : memref<1x2x32xi32, #tpu.memory_space<hbm>> -> memref<2x32xi32, #tpu.memory_space<hbm>>
        tpu.wait_dma2 semaphore(%run_scoped3A_140 : memref<!tpu.dma_semaphore, #tpu.memory_space<semaphore_mem>>) src(%dma_wait3A_156 : memref<2x32xi32, #tpu.memory_space<hbm>>) dst(%arg7 : memref<2x32xi32, #tpu.memory_space<vmem>>)
        tpu.yield
      }) : () -> ()
      "tpu.region"() ({
        %run_scoped3A_140 = tpu.sem_alloc : memref<!tpu.dma_semaphore, #tpu.memory_space<semaphore_mem>>
        %dma_start3A_141 = arith.constant 0 : i32
        %dma_start3A_142 = arith.constant 0 : i32
        %dma_start3A_143 = tpu.memref_slice %arg5[%arg1, %dma_start3A_141, %dma_start3A_142] : memref<16x640x32xi32, #tpu.memory_space<hbm>> -> memref<1x2x32xi32, #tpu.memory_space<hbm>>
        %dma_start3A_144 = tpu.memref_squeeze %dma_start3A_143 : memref<1x2x32xi32, #tpu.memory_space<hbm>> -> memref<2x32xi32, #tpu.memory_space<hbm>>
        %dma_start3A_145 = arith.constant 0 : i32
        %dma_start3A_146 = arith.constant 0 : i32
        %dma_start3A_147 = tpu.memref_slice %arg5[%arg1, %dma_start3A_145, %dma_start3A_146] : memref<16x640x32xi32, #tpu.memory_space<hbm>> -> memref<1x2x32xi32, #tpu.memory_space<hbm>>
        %dma_start3A_148 = tpu.memref_squeeze %dma_start3A_147 : memref<1x2x32xi32, #tpu.memory_space<hbm>> -> memref<2x32xi32, #tpu.memory_space<hbm>>
        tpu.enqueue_dma source(%dma_start3A_148 : memref<2x32xi32, #tpu.memory_space<hbm>>) target(%arg8 : memref<2x32xi32, #tpu.memory_space<vmem>>) target_semaphore(%run_scoped3A_140 : memref<!tpu.dma_semaphore, #tpu.memory_space<semaphore_mem>>)
        %dma_wait3A_149 = arith.constant 0 : i32
        %dma_wait3A_150 = arith.constant 0 : i32
        %dma_wait3A_151 = tpu.memref_slice %arg5[%arg1, %dma_wait3A_149, %dma_wait3A_150] : memref<16x640x32xi32, #tpu.memory_space<hbm>> -> memref<1x2x32xi32, #tpu.memory_space<hbm>>
        %dma_wait3A_152 = tpu.memref_squeeze %dma_wait3A_151 : memref<1x2x32xi32, #tpu.memory_space<hbm>> -> memref<2x32xi32, #tpu.memory_space<hbm>>
        %dma_wait3A_153 = arith.constant 0 : i32
        %dma_wait3A_154 = arith.constant 0 : i32
        %dma_wait3A_155 = tpu.memref_slice %arg5[%arg1, %dma_wait3A_153, %dma_wait3A_154] : memref<16x640x32xi32, #tpu.memory_space<hbm>> -> memref<1x2x32xi32, #tpu.memory_space<hbm>>
        %dma_wait3A_156 = tpu.memref_squeeze %dma_wait3A_155 : memref<1x2x32xi32, #tpu.memory_space<hbm>> -> memref<2x32xi32, #tpu.memory_space<hbm>>
        tpu.wait_dma2 semaphore(%run_scoped3A_140 : memref<!tpu.dma_semaphore, #tpu.memory_space<semaphore_mem>>) src(%dma_wait3A_156 : memref<2x32xi32, #tpu.memory_space<hbm>>) dst(%arg8 : memref<2x32xi32, #tpu.memory_space<vmem>>)
        tpu.yield
      }) : () -> ()
      %dma_start3A = arith.constant 2 : i32
      %dma_start3A_45 = arith.constant 0 : i32
      %dma_start3A_46 = tpu.memref_slice %arg3[%arg1, %dma_start3A, %dma_start3A_45] : memref<16x640x32xi32, #tpu.memory_space<hbm>> -> memref<1x2x32xi32, #tpu.memory_space<hbm>>
      %dma_start3A_47 = tpu.memref_squeeze %dma_start3A_46 : memref<1x2x32xi32, #tpu.memory_space<hbm>> -> memref<2x32xi32, #tpu.memory_space<hbm>>
      %dma_start3A_48 = arith.constant 2 : i32
      %dma_start3A_49 = arith.constant 0 : i32
      %dma_start3A_50 = tpu.memref_slice %arg3[%arg1, %dma_start3A_48, %dma_start3A_49] : memref<16x640x32xi32, #tpu.memory_space<hbm>> -> memref<1x2x32xi32, #tpu.memory_space<hbm>>
      %dma_start3A_51 = tpu.memref_squeeze %dma_start3A_50 : memref<1x2x32xi32, #tpu.memory_space<hbm>> -> memref<2x32xi32, #tpu.memory_space<hbm>>
      tpu.enqueue_dma source(%dma_start3A_51 : memref<2x32xi32, #tpu.memory_space<hbm>>) target(%arg9 : memref<2x32xi32, #tpu.memory_space<vmem>>) target_semaphore(%arg18 : memref<!tpu.dma_semaphore, #tpu.memory_space<semaphore_mem>>)
      %dma_start3A_52 = arith.constant 2 : i32
      %dma_start3A_53 = arith.constant 0 : i32
      %dma_start3A_54 = tpu.memref_slice %arg5[%arg1, %dma_start3A_52, %dma_start3A_53] : memref<16x640x32xi32, #tpu.memory_space<hbm>> -> memref<1x2x32xi32, #tpu.memory_space<hbm>>
      %dma_start3A_55 = tpu.memref_squeeze %dma_start3A_54 : memref<1x2x32xi32, #tpu.memory_space<hbm>> -> memref<2x32xi32, #tpu.memory_space<hbm>>
      %dma_start3A_56 = arith.constant 2 : i32
      %dma_start3A_57 = arith.constant 0 : i32
      %dma_start3A_58 = tpu.memref_slice %arg5[%arg1, %dma_start3A_56, %dma_start3A_57] : memref<16x640x32xi32, #tpu.memory_space<hbm>> -> memref<1x2x32xi32, #tpu.memory_space<hbm>>
      %dma_start3A_59 = tpu.memref_squeeze %dma_start3A_58 : memref<1x2x32xi32, #tpu.memory_space<hbm>> -> memref<2x32xi32, #tpu.memory_space<hbm>>
      tpu.enqueue_dma source(%dma_start3A_59 : memref<2x32xi32, #tpu.memory_space<hbm>>) target(%arg10 : memref<2x32xi32, #tpu.memory_space<vmem>>) target_semaphore(%arg18 : memref<!tpu.dma_semaphore, #tpu.memory_space<semaphore_mem>>)
      %dma_start3A_60 = arith.constant 0 : i32
      %dma_start3A_61 = arith.constant 0 : i32
      %dma_start3A_62 = tpu.memref_slice %arg7[%dma_start3A_60, %dma_start3A_61] : memref<2x32xi32, #tpu.memory_space<vmem>> -> memref<1x32xi32, #tpu.memory_space<vmem>>
      %dma_start3A_63 = tpu.memref_squeeze %dma_start3A_62 : memref<1x32xi32, #tpu.memory_space<vmem>> -> memref<32xi32, #tpu.memory_space<vmem>>
      %dma_start3A_64 = arith.constant 0 : i32
      %dma_start3A_65 = arith.constant 0 : i32
      %dma_start3A_66 = tpu.memref_slice %arg13[%dma_start3A_64, %dma_start3A_65] : memref<10000x128xf32, #tpu.memory_space<vmem_shared>> -> memref<10000x128xf32, #tpu.memory_space<vmem_shared>>
      tpu.enqueue_indirect_dma source(%dma_start3A_66 : memref<10000x128xf32, #tpu.memory_space<vmem_shared>>) target(%arg11 : memref<32x128xf32, #tpu.memory_space<vmem>>) offsets(%dma_start3A_63 : memref<32xi32, #tpu.memory_space<vmem>>) semaphore(%arg15 : memref<!tpu.dma_semaphore, #tpu.memory_space<semaphore_mem>>)
      %dma_start3A_67 = arith.constant 1 : i32
      %dma_start3A_68 = arith.constant 0 : i32
      %dma_start3A_69 = tpu.memref_slice %arg7[%dma_start3A_67, %dma_start3A_68] : memref<2x32xi32, #tpu.memory_space<vmem>> -> memref<1x32xi32, #tpu.memory_space<vmem>>
      %dma_start3A_70 = tpu.memref_squeeze %dma_start3A_69 : memref<1x32xi32, #tpu.memory_space<vmem>> -> memref<32xi32, #tpu.memory_space<vmem>>
      %dma_start3A_71 = arith.constant 0 : i32
      %dma_start3A_72 = arith.constant 0 : i32
      %dma_start3A_73 = tpu.memref_slice %arg13[%dma_start3A_71, %dma_start3A_72] : memref<10000x128xf32, #tpu.memory_space<vmem_shared>> -> memref<10000x128xf32, #tpu.memory_space<vmem_shared>>
      tpu.enqueue_indirect_dma source(%dma_start3A_73 : memref<10000x128xf32, #tpu.memory_space<vmem_shared>>) target(%arg12 : memref<32x128xf32, #tpu.memory_space<vmem>>) offsets(%dma_start3A_70 : memref<32xi32, #tpu.memory_space<vmem>>) semaphore(%arg16 : memref<!tpu.dma_semaphore, #tpu.memory_space<semaphore_mem>>)
      %scan3A_74 = arith.constant 0 : i32
      %scan3A_75 = arith.constant 0 : i32
      %scan3A_76 = arith.constant 159 : i32
      %scan3A_77 = arith.addi %scan3A_75, %scan3A_76 : i32
      %scan3A_78 = arith.constant 1 : i32
      scf.for %scan3A_140 = %scan3A_75 to %scan3A_77 step %scan3A_78  : i32 {
        %mul3A_141 = arith.constant 2 : i32
        %mul3A_142 = arith.muli %mul3A_141, %scan3A_140 : i32
        %add3A_143 = arith.constant 2 : i32
        %add3A_144 = arith.addi %mul3A_142, %add3A_143 : i32
        %mul3A_145 = arith.constant 2 : i32
        %mul3A_146 = arith.muli %add3A_144, %mul3A_145 : i32
        %mul3A_147 = arith.constant 2 : i32
        %mul3A_148 = arith.muli %mul3A_147, %scan3A_140 : i32
        %add3A_149 = arith.constant 3 : i32
        %add3A_150 = arith.addi %mul3A_148, %add3A_149 : i32
        %mul3A_151 = arith.constant 2 : i32
        %mul3A_152 = arith.muli %add3A_150, %mul3A_151 : i32
        %dma_wait3A_153 = arith.constant 0 : i32
        %dma_wait3A_154 = arith.constant 0 : i32
        %dma_wait3A_155 = tpu.memref_slice %arg7[%dma_wait3A_153, %dma_wait3A_154] : memref<2x32xi32, #tpu.memory_space<vmem>> -> memref<1x32xi32, #tpu.memory_space<vmem>>
        %dma_wait3A_156 = tpu.memref_squeeze %dma_wait3A_155 : memref<1x32xi32, #tpu.memory_space<vmem>> -> memref<32xi32, #tpu.memory_space<vmem>>
        %dma_wait3A_157 = arith.constant 0 : i32
        %dma_wait3A_158 = arith.constant 0 : i32
        %dma_wait3A_159 = tpu.memref_slice %arg13[%dma_wait3A_157, %dma_wait3A_158] : memref<10000x128xf32, #tpu.memory_space<vmem_shared>> -> memref<10000x128xf32, #tpu.memory_space<vmem_shared>>
        tpu.wait_indirect_dma semaphore(%arg15 : memref<!tpu.dma_semaphore, #tpu.memory_space<semaphore_mem>>) src(%dma_wait3A_159 : memref<10000x128xf32, #tpu.memory_space<vmem_shared>>) dst(%arg11 : memref<32x128xf32, #tpu.memory_space<vmem>>)
        %run_scoped3A_160 = arith.constant 0 : i32
        "tpu.region"() ({
          %run_scoped3A_264 = tpu.sem_alloc : memref<!tpu.dma_semaphore, #tpu.memory_space<semaphore_mem>>
          %dma_start3A_265 = arith.constant 0 : i32
          %dma_start3A_266 = tpu.memref_slice %arg8[%run_scoped3A_160, %dma_start3A_265] : memref<2x32xi32, #tpu.memory_space<vmem>> -> memref<1x32xi32, #tpu.memory_space<vmem>>
          %dma_start3A_267 = tpu.memref_squeeze %dma_start3A_266 : memref<1x32xi32, #tpu.memory_space<vmem>> -> memref<32xi32, #tpu.memory_space<vmem>>
          %dma_start3A_268 = arith.constant 0 : i32
          %dma_start3A_269 = arith.constant 0 : i32
          %dma_start3A_270 = tpu.memref_slice %arg14[%dma_start3A_268, %dma_start3A_269] : memref<5120x128xf32, #tpu.memory_space<vmem_shared>> -> memref<5120x128xf32, #tpu.memory_space<vmem_shared>>
          tpu.enqueue_indirect_dma source(%arg11 : memref<32x128xf32, #tpu.memory_space<vmem>>) target(%dma_start3A_270 : memref<5120x128xf32, #tpu.memory_space<vmem_shared>>) offsets(%dma_start3A_267 : memref<32xi32, #tpu.memory_space<vmem>>) semaphore(%run_scoped3A_264 : memref<!tpu.dma_semaphore, #tpu.memory_space<semaphore_mem>>) {add = true}
          %dma_wait3A_271 = arith.constant 0 : i32
          %dma_wait3A_272 = tpu.memref_slice %arg8[%run_scoped3A_160, %dma_wait3A_271] : memref<2x32xi32, #tpu.memory_space<vmem>> -> memref<1x32xi32, #tpu.memory_space<vmem>>
          %dma_wait3A_273 = tpu.memref_squeeze %dma_wait3A_272 : memref<1x32xi32, #tpu.memory_space<vmem>> -> memref<32xi32, #tpu.memory_space<vmem>>
          %dma_wait3A_274 = arith.constant 0 : i32
          %dma_wait3A_275 = arith.constant 0 : i32
          %dma_wait3A_276 = tpu.memref_slice %arg14[%dma_wait3A_274, %dma_wait3A_275] : memref<5120x128xf32, #tpu.memory_space<vmem_shared>> -> memref<5120x128xf32, #tpu.memory_space<vmem_shared>>
          tpu.wait_indirect_dma semaphore(%run_scoped3A_264 : memref<!tpu.dma_semaphore, #tpu.memory_space<semaphore_mem>>) src(%arg11 : memref<32x128xf32, #tpu.memory_space<vmem>>) dst(%dma_wait3A_276 : memref<5120x128xf32, #tpu.memory_space<vmem_shared>>)
          tpu.yield
        }) : () -> ()
        %sub3A = arith.constant 4 : i32
        %sub3A_161 = arith.subi %mul3A_152, %sub3A : i32
        %dma_wait3A_162 = arith.constant 0 : i32
        %dma_wait3A_163 = tpu.memref_slice %arg3[%arg1, %sub3A_161, %dma_wait3A_162] : memref<16x640x32xi32, #tpu.memory_space<hbm>> -> memref<1x2x32xi32, #tpu.memory_space<hbm>>
        %dma_wait3A_164 = tpu.memref_squeeze %dma_wait3A_163 : memref<1x2x32xi32, #tpu.memory_space<hbm>> -> memref<2x32xi32, #tpu.memory_space<hbm>>
        %dma_wait3A_165 = arith.constant 0 : i32
        %dma_wait3A_166 = tpu.memref_slice %arg3[%arg1, %sub3A_161, %dma_wait3A_165] : memref<16x640x32xi32, #tpu.memory_space<hbm>> -> memref<1x2x32xi32, #tpu.memory_space<hbm>>
        %dma_wait3A_167 = tpu.memref_squeeze %dma_wait3A_166 : memref<1x2x32xi32, #tpu.memory_space<hbm>> -> memref<2x32xi32, #tpu.memory_space<hbm>>
        tpu.wait_dma2 semaphore(%arg18 : memref<!tpu.dma_semaphore, #tpu.memory_space<semaphore_mem>>) src(%dma_wait3A_167 : memref<2x32xi32, #tpu.memory_space<hbm>>) dst(%arg9 : memref<2x32xi32, #tpu.memory_space<vmem>>)
        %sub3A_168 = arith.constant 4 : i32
        %sub3A_169 = arith.subi %mul3A_152, %sub3A_168 : i32
        %dma_wait3A_170 = arith.constant 0 : i32
        %dma_wait3A_171 = tpu.memref_slice %arg5[%arg1, %sub3A_169, %dma_wait3A_170] : memref<16x640x32xi32, #tpu.memory_space<hbm>> -> memref<1x2x32xi32, #tpu.memory_space<hbm>>
        %dma_wait3A_172 = tpu.memref_squeeze %dma_wait3A_171 : memref<1x2x32xi32, #tpu.memory_space<hbm>> -> memref<2x32xi32, #tpu.memory_space<hbm>>
        %dma_wait3A_173 = arith.constant 0 : i32
        %dma_wait3A_174 = tpu.memref_slice %arg5[%arg1, %sub3A_169, %dma_wait3A_173] : memref<16x640x32xi32, #tpu.memory_space<hbm>> -> memref<1x2x32xi32, #tpu.memory_space<hbm>>
        %dma_wait3A_175 = tpu.memref_squeeze %dma_wait3A_174 : memref<1x2x32xi32, #tpu.memory_space<hbm>> -> memref<2x32xi32, #tpu.memory_space<hbm>>
        tpu.wait_dma2 semaphore(%arg18 : memref<!tpu.dma_semaphore, #tpu.memory_space<semaphore_mem>>) src(%dma_wait3A_175 : memref<2x32xi32, #tpu.memory_space<hbm>>) dst(%arg10 : memref<2x32xi32, #tpu.memory_space<vmem>>)
        %dma_start3A_176 = arith.constant 0 : i32
        %dma_start3A_177 = arith.constant 0 : i32
        %dma_start3A_178 = tpu.memref_slice %arg9[%dma_start3A_176, %dma_start3A_177] : memref<2x32xi32, #tpu.memory_space<vmem>> -> memref<1x32xi32, #tpu.memory_space<vmem>>
        %dma_start3A_179 = tpu.memref_squeeze %dma_start3A_178 : memref<1x32xi32, #tpu.memory_space<vmem>> -> memref<32xi32, #tpu.memory_space<vmem>>
        %dma_start3A_180 = arith.constant 0 : i32
        %dma_start3A_181 = arith.constant 0 : i32
        %dma_start3A_182 = tpu.memref_slice %arg13[%dma_start3A_180, %dma_start3A_181] : memref<10000x128xf32, #tpu.memory_space<vmem_shared>> -> memref<10000x128xf32, #tpu.memory_space<vmem_shared>>
        tpu.enqueue_indirect_dma source(%dma_start3A_182 : memref<10000x128xf32, #tpu.memory_space<vmem_shared>>) target(%arg11 : memref<32x128xf32, #tpu.memory_space<vmem>>) offsets(%dma_start3A_179 : memref<32xi32, #tpu.memory_space<vmem>>) semaphore(%arg15 : memref<!tpu.dma_semaphore, #tpu.memory_space<semaphore_mem>>)
        %dma_wait3A_183 = arith.constant 1 : i32
        %dma_wait3A_184 = arith.constant 0 : i32
        %dma_wait3A_185 = tpu.memref_slice %arg7[%dma_wait3A_183, %dma_wait3A_184] : memref<2x32xi32, #tpu.memory_space<vmem>> -> memref<1x32xi32, #tpu.memory_space<vmem>>
        %dma_wait3A_186 = tpu.memref_squeeze %dma_wait3A_185 : memref<1x32xi32, #tpu.memory_space<vmem>> -> memref<32xi32, #tpu.memory_space<vmem>>
        %dma_wait3A_187 = arith.constant 0 : i32
        %dma_wait3A_188 = arith.constant 0 : i32
        %dma_wait3A_189 = tpu.memref_slice %arg13[%dma_wait3A_187, %dma_wait3A_188] : memref<10000x128xf32, #tpu.memory_space<vmem_shared>> -> memref<10000x128xf32, #tpu.memory_space<vmem_shared>>
        tpu.wait_indirect_dma semaphore(%arg16 : memref<!tpu.dma_semaphore, #tpu.memory_space<semaphore_mem>>) src(%dma_wait3A_189 : memref<10000x128xf32, #tpu.memory_space<vmem_shared>>) dst(%arg12 : memref<32x128xf32, #tpu.memory_space<vmem>>)
        %run_scoped3A_190 = arith.constant 1 : i32
        "tpu.region"() ({
          %run_scoped3A_264 = tpu.sem_alloc : memref<!tpu.dma_semaphore, #tpu.memory_space<semaphore_mem>>
          %dma_start3A_265 = arith.constant 0 : i32
          %dma_start3A_266 = tpu.memref_slice %arg8[%run_scoped3A_190, %dma_start3A_265] : memref<2x32xi32, #tpu.memory_space<vmem>> -> memref<1x32xi32, #tpu.memory_space<vmem>>
          %dma_start3A_267 = tpu.memref_squeeze %dma_start3A_266 : memref<1x32xi32, #tpu.memory_space<vmem>> -> memref<32xi32, #tpu.memory_space<vmem>>
          %dma_start3A_268 = arith.constant 0 : i32
          %dma_start3A_269 = arith.constant 0 : i32
          %dma_start3A_270 = tpu.memref_slice %arg14[%dma_start3A_268, %dma_start3A_269] : memref<5120x128xf32, #tpu.memory_space<vmem_shared>> -> memref<5120x128xf32, #tpu.memory_space<vmem_shared>>
          tpu.enqueue_indirect_dma source(%arg12 : memref<32x128xf32, #tpu.memory_space<vmem>>) target(%dma_start3A_270 : memref<5120x128xf32, #tpu.memory_space<vmem_shared>>) offsets(%dma_start3A_267 : memref<32xi32, #tpu.memory_space<vmem>>) semaphore(%run_scoped3A_264 : memref<!tpu.dma_semaphore, #tpu.memory_space<semaphore_mem>>) {add = true}
          %dma_wait3A_271 = arith.constant 0 : i32
          %dma_wait3A_272 = tpu.memref_slice %arg8[%run_scoped3A_190, %dma_wait3A_271] : memref<2x32xi32, #tpu.memory_space<vmem>> -> memref<1x32xi32, #tpu.memory_space<vmem>>
          %dma_wait3A_273 = tpu.memref_squeeze %dma_wait3A_272 : memref<1x32xi32, #tpu.memory_space<vmem>> -> memref<32xi32, #tpu.memory_space<vmem>>
          %dma_wait3A_274 = arith.constant 0 : i32
          %dma_wait3A_275 = arith.constant 0 : i32
          %dma_wait3A_276 = tpu.memref_slice %arg14[%dma_wait3A_274, %dma_wait3A_275] : memref<5120x128xf32, #tpu.memory_space<vmem_shared>> -> memref<5120x128xf32, #tpu.memory_space<vmem_shared>>
          tpu.wait_indirect_dma semaphore(%run_scoped3A_264 : memref<!tpu.dma_semaphore, #tpu.memory_space<semaphore_mem>>) src(%arg12 : memref<32x128xf32, #tpu.memory_space<vmem>>) dst(%dma_wait3A_276 : memref<5120x128xf32, #tpu.memory_space<vmem_shared>>)
          tpu.yield
        }) : () -> ()
        %dma_start3A_191 = arith.constant 1 : i32
        %dma_start3A_192 = arith.constant 0 : i32
        %dma_start3A_193 = tpu.memref_slice %arg9[%dma_start3A_191, %dma_start3A_192] : memref<2x32xi32, #tpu.memory_space<vmem>> -> memref<1x32xi32, #tpu.memory_space<vmem>>
        %dma_start3A_194 = tpu.memref_squeeze %dma_start3A_193 : memref<1x32xi32, #tpu.memory_space<vmem>> -> memref<32xi32, #tpu.memory_space<vmem>>
        %dma_start3A_195 = arith.constant 0 : i32
        %dma_start3A_196 = arith.constant 0 : i32
        %dma_start3A_197 = tpu.memref_slice %arg13[%dma_start3A_195, %dma_start3A_196] : memref<10000x128xf32, #tpu.memory_space<vmem_shared>> -> memref<10000x128xf32, #tpu.memory_space<vmem_shared>>
        tpu.enqueue_indirect_dma source(%dma_start3A_197 : memref<10000x128xf32, #tpu.memory_space<vmem_shared>>) target(%arg12 : memref<32x128xf32, #tpu.memory_space<vmem>>) offsets(%dma_start3A_194 : memref<32xi32, #tpu.memory_space<vmem>>) semaphore(%arg16 : memref<!tpu.dma_semaphore, #tpu.memory_space<semaphore_mem>>)
        %dma_start3A_198 = arith.constant 0 : i32
        %dma_start3A_199 = tpu.memref_slice %arg3[%arg1, %mul3A_146, %dma_start3A_198] : memref<16x640x32xi32, #tpu.memory_space<hbm>> -> memref<1x2x32xi32, #tpu.memory_space<hbm>>
        %dma_start3A_200 = tpu.memref_squeeze %dma_start3A_199 : memref<1x2x32xi32, #tpu.memory_space<hbm>> -> memref<2x32xi32, #tpu.memory_space<hbm>>
        %dma_start3A_201 = arith.constant 0 : i32
        %dma_start3A_202 = tpu.memref_slice %arg3[%arg1, %mul3A_146, %dma_start3A_201] : memref<16x640x32xi32, #tpu.memory_space<hbm>> -> memref<1x2x32xi32, #tpu.memory_space<hbm>>
        %dma_start3A_203 = tpu.memref_squeeze %dma_start3A_202 : memref<1x2x32xi32, #tpu.memory_space<hbm>> -> memref<2x32xi32, #tpu.memory_space<hbm>>
        tpu.enqueue_dma source(%dma_start3A_203 : memref<2x32xi32, #tpu.memory_space<hbm>>) target(%arg7 : memref<2x32xi32, #tpu.memory_space<vmem>>) target_semaphore(%arg17 : memref<!tpu.dma_semaphore, #tpu.memory_space<semaphore_mem>>)
        %dma_start3A_204 = arith.constant 0 : i32
        %dma_start3A_205 = tpu.memref_slice %arg5[%arg1, %mul3A_146, %dma_start3A_204] : memref<16x640x32xi32, #tpu.memory_space<hbm>> -> memref<1x2x32xi32, #tpu.memory_space<hbm>>
        %dma_start3A_206 = tpu.memref_squeeze %dma_start3A_205 : memref<1x2x32xi32, #tpu.memory_space<hbm>> -> memref<2x32xi32, #tpu.memory_space<hbm>>
        %dma_start3A_207 = arith.constant 0 : i32
        %dma_start3A_208 = tpu.memref_slice %arg5[%arg1, %mul3A_146, %dma_start3A_207] : memref<16x640x32xi32, #tpu.memory_space<hbm>> -> memref<1x2x32xi32, #tpu.memory_space<hbm>>
        %dma_start3A_209 = tpu.memref_squeeze %dma_start3A_208 : memref<1x2x32xi32, #tpu.memory_space<hbm>> -> memref<2x32xi32, #tpu.memory_space<hbm>>
        tpu.enqueue_dma source(%dma_start3A_209 : memref<2x32xi32, #tpu.memory_space<hbm>>) target(%arg8 : memref<2x32xi32, #tpu.memory_space<vmem>>) target_semaphore(%arg17 : memref<!tpu.dma_semaphore, #tpu.memory_space<semaphore_mem>>)
        %dma_wait3A_210 = arith.constant 0 : i32
        %dma_wait3A_211 = arith.constant 0 : i32
        %dma_wait3A_212 = tpu.memref_slice %arg9[%dma_wait3A_210, %dma_wait3A_211] : memref<2x32xi32, #tpu.memory_space<vmem>> -> memref<1x32xi32, #tpu.memory_space<vmem>>
        %dma_wait3A_213 = tpu.memref_squeeze %dma_wait3A_212 : memref<1x32xi32, #tpu.memory_space<vmem>> -> memref<32xi32, #tpu.memory_space<vmem>>
        %dma_wait3A_214 = arith.constant 0 : i32
        %dma_wait3A_215 = arith.constant 0 : i32
        %dma_wait3A_216 = tpu.memref_slice %arg13[%dma_wait3A_214, %dma_wait3A_215] : memref<10000x128xf32, #tpu.memory_space<vmem_shared>> -> memref<10000x128xf32, #tpu.memory_space<vmem_shared>>
        tpu.wait_indirect_dma semaphore(%arg15 : memref<!tpu.dma_semaphore, #tpu.memory_space<semaphore_mem>>) src(%dma_wait3A_216 : memref<10000x128xf32, #tpu.memory_space<vmem_shared>>) dst(%arg11 : memref<32x128xf32, #tpu.memory_space<vmem>>)
        %run_scoped3A_217 = arith.constant 0 : i32
        "tpu.region"() ({
          %run_scoped3A_264 = tpu.sem_alloc : memref<!tpu.dma_semaphore, #tpu.memory_space<semaphore_mem>>
          %dma_start3A_265 = arith.constant 0 : i32
          %dma_start3A_266 = tpu.memref_slice %arg10[%run_scoped3A_217, %dma_start3A_265] : memref<2x32xi32, #tpu.memory_space<vmem>> -> memref<1x32xi32, #tpu.memory_space<vmem>>
          %dma_start3A_267 = tpu.memref_squeeze %dma_start3A_266 : memref<1x32xi32, #tpu.memory_space<vmem>> -> memref<32xi32, #tpu.memory_space<vmem>>
          %dma_start3A_268 = arith.constant 0 : i32
          %dma_start3A_269 = arith.constant 0 : i32
          %dma_start3A_270 = tpu.memref_slice %arg14[%dma_start3A_268, %dma_start3A_269] : memref<5120x128xf32, #tpu.memory_space<vmem_shared>> -> memref<5120x128xf32, #tpu.memory_space<vmem_shared>>
          tpu.enqueue_indirect_dma source(%arg11 : memref<32x128xf32, #tpu.memory_space<vmem>>) target(%dma_start3A_270 : memref<5120x128xf32, #tpu.memory_space<vmem_shared>>) offsets(%dma_start3A_267 : memref<32xi32, #tpu.memory_space<vmem>>) semaphore(%run_scoped3A_264 : memref<!tpu.dma_semaphore, #tpu.memory_space<semaphore_mem>>) {add = true}
          %dma_wait3A_271 = arith.constant 0 : i32
          %dma_wait3A_272 = tpu.memref_slice %arg10[%run_scoped3A_217, %dma_wait3A_271] : memref<2x32xi32, #tpu.memory_space<vmem>> -> memref<1x32xi32, #tpu.memory_space<vmem>>
          %dma_wait3A_273 = tpu.memref_squeeze %dma_wait3A_272 : memref<1x32xi32, #tpu.memory_space<vmem>> -> memref<32xi32, #tpu.memory_space<vmem>>
          %dma_wait3A_274 = arith.constant 0 : i32
          %dma_wait3A_275 = arith.constant 0 : i32
          %dma_wait3A_276 = tpu.memref_slice %arg14[%dma_wait3A_274, %dma_wait3A_275] : memref<5120x128xf32, #tpu.memory_space<vmem_shared>> -> memref<5120x128xf32, #tpu.memory_space<vmem_shared>>
          tpu.wait_indirect_dma semaphore(%run_scoped3A_264 : memref<!tpu.dma_semaphore, #tpu.memory_space<semaphore_mem>>) src(%arg11 : memref<32x128xf32, #tpu.memory_space<vmem>>) dst(%dma_wait3A_276 : memref<5120x128xf32, #tpu.memory_space<vmem_shared>>)
          tpu.yield
        }) : () -> ()
        %dma_wait3A_218 = arith.constant 0 : i32
        %dma_wait3A_219 = tpu.memref_slice %arg3[%arg1, %mul3A_146, %dma_wait3A_218] : memref<16x640x32xi32, #tpu.memory_space<hbm>> -> memref<1x2x32xi32, #tpu.memory_space<hbm>>
        %dma_wait3A_220 = tpu.memref_squeeze %dma_wait3A_219 : memref<1x2x32xi32, #tpu.memory_space<hbm>> -> memref<2x32xi32, #tpu.memory_space<hbm>>
        %dma_wait3A_221 = arith.constant 0 : i32
        %dma_wait3A_222 = tpu.memref_slice %arg3[%arg1, %mul3A_146, %dma_wait3A_221] : memref<16x640x32xi32, #tpu.memory_space<hbm>> -> memref<1x2x32xi32, #tpu.memory_space<hbm>>
        %dma_wait3A_223 = tpu.memref_squeeze %dma_wait3A_222 : memref<1x2x32xi32, #tpu.memory_space<hbm>> -> memref<2x32xi32, #tpu.memory_space<hbm>>
        tpu.wait_dma2 semaphore(%arg17 : memref<!tpu.dma_semaphore, #tpu.memory_space<semaphore_mem>>) src(%dma_wait3A_223 : memref<2x32xi32, #tpu.memory_space<hbm>>) dst(%arg7 : memref<2x32xi32, #tpu.memory_space<vmem>>)
        %dma_wait3A_224 = arith.constant 0 : i32
        %dma_wait3A_225 = tpu.memref_slice %arg5[%arg1, %mul3A_146, %dma_wait3A_224] : memref<16x640x32xi32, #tpu.memory_space<hbm>> -> memref<1x2x32xi32, #tpu.memory_space<hbm>>
        %dma_wait3A_226 = tpu.memref_squeeze %dma_wait3A_225 : memref<1x2x32xi32, #tpu.memory_space<hbm>> -> memref<2x32xi32, #tpu.memory_space<hbm>>
        %dma_wait3A_227 = arith.constant 0 : i32
        %dma_wait3A_228 = tpu.memref_slice %arg5[%arg1, %mul3A_146, %dma_wait3A_227] : memref<16x640x32xi32, #tpu.memory_space<hbm>> -> memref<1x2x32xi32, #tpu.memory_space<hbm>>
        %dma_wait3A_229 = tpu.memref_squeeze %dma_wait3A_228 : memref<1x2x32xi32, #tpu.memory_space<hbm>> -> memref<2x32xi32, #tpu.memory_space<hbm>>
        tpu.wait_dma2 semaphore(%arg17 : memref<!tpu.dma_semaphore, #tpu.memory_space<semaphore_mem>>) src(%dma_wait3A_229 : memref<2x32xi32, #tpu.memory_space<hbm>>) dst(%arg8 : memref<2x32xi32, #tpu.memory_space<vmem>>)
        %dma_start3A_230 = arith.constant 0 : i32
        %dma_start3A_231 = arith.constant 0 : i32
        %dma_start3A_232 = tpu.memref_slice %arg7[%dma_start3A_230, %dma_start3A_231] : memref<2x32xi32, #tpu.memory_space<vmem>> -> memref<1x32xi32, #tpu.memory_space<vmem>>
        %dma_start3A_233 = tpu.memref_squeeze %dma_start3A_232 : memref<1x32xi32, #tpu.memory_space<vmem>> -> memref<32xi32, #tpu.memory_space<vmem>>
        %dma_start3A_234 = arith.constant 0 : i32
        %dma_start3A_235 = arith.constant 0 : i32
        %dma_start3A_236 = tpu.memref_slice %arg13[%dma_start3A_234, %dma_start3A_235] : memref<10000x128xf32, #tpu.memory_space<vmem_shared>> -> memref<10000x128xf32, #tpu.memory_space<vmem_shared>>
        tpu.enqueue_indirect_dma source(%dma_start3A_236 : memref<10000x128xf32, #tpu.memory_space<vmem_shared>>) target(%arg11 : memref<32x128xf32, #tpu.memory_space<vmem>>) offsets(%dma_start3A_233 : memref<32xi32, #tpu.memory_space<vmem>>) semaphore(%arg15 : memref<!tpu.dma_semaphore, #tpu.memory_space<semaphore_mem>>)
        %dma_wait3A_237 = arith.constant 1 : i32
        %dma_wait3A_238 = arith.constant 0 : i32
        %dma_wait3A_239 = tpu.memref_slice %arg9[%dma_wait3A_237, %dma_wait3A_238] : memref<2x32xi32, #tpu.memory_space<vmem>> -> memref<1x32xi32, #tpu.memory_space<vmem>>
        %dma_wait3A_240 = tpu.memref_squeeze %dma_wait3A_239 : memref<1x32xi32, #tpu.memory_space<vmem>> -> memref<32xi32, #tpu.memory_space<vmem>>
        %dma_wait3A_241 = arith.constant 0 : i32
        %dma_wait3A_242 = arith.constant 0 : i32
        %dma_wait3A_243 = tpu.memref_slice %arg13[%dma_wait3A_241, %dma_wait3A_242] : memref<10000x128xf32, #tpu.memory_space<vmem_shared>> -> memref<10000x128xf32, #tpu.memory_space<vmem_shared>>
        tpu.wait_indirect_dma semaphore(%arg16 : memref<!tpu.dma_semaphore, #tpu.memory_space<semaphore_mem>>) src(%dma_wait3A_243 : memref<10000x128xf32, #tpu.memory_space<vmem_shared>>) dst(%arg12 : memref<32x128xf32, #tpu.memory_space<vmem>>)
        %run_scoped3A_244 = arith.constant 1 : i32
        "tpu.region"() ({
          %run_scoped3A_264 = tpu.sem_alloc : memref<!tpu.dma_semaphore, #tpu.memory_space<semaphore_mem>>
          %dma_start3A_265 = arith.constant 0 : i32
          %dma_start3A_266 = tpu.memref_slice %arg10[%run_scoped3A_244, %dma_start3A_265] : memref<2x32xi32, #tpu.memory_space<vmem>> -> memref<1x32xi32, #tpu.memory_space<vmem>>
          %dma_start3A_267 = tpu.memref_squeeze %dma_start3A_266 : memref<1x32xi32, #tpu.memory_space<vmem>> -> memref<32xi32, #tpu.memory_space<vmem>>
          %dma_start3A_268 = arith.constant 0 : i32
          %dma_start3A_269 = arith.constant 0 : i32
          %dma_start3A_270 = tpu.memref_slice %arg14[%dma_start3A_268, %dma_start3A_269] : memref<5120x128xf32, #tpu.memory_space<vmem_shared>> -> memref<5120x128xf32, #tpu.memory_space<vmem_shared>>
          tpu.enqueue_indirect_dma source(%arg12 : memref<32x128xf32, #tpu.memory_space<vmem>>) target(%dma_start3A_270 : memref<5120x128xf32, #tpu.memory_space<vmem_shared>>) offsets(%dma_start3A_267 : memref<32xi32, #tpu.memory_space<vmem>>) semaphore(%run_scoped3A_264 : memref<!tpu.dma_semaphore, #tpu.memory_space<semaphore_mem>>) {add = true}
          %dma_wait3A_271 = arith.constant 0 : i32
          %dma_wait3A_272 = tpu.memref_slice %arg10[%run_scoped3A_244, %dma_wait3A_271] : memref<2x32xi32, #tpu.memory_space<vmem>> -> memref<1x32xi32, #tpu.memory_space<vmem>>
          %dma_wait3A_273 = tpu.memref_squeeze %dma_wait3A_272 : memref<1x32xi32, #tpu.memory_space<vmem>> -> memref<32xi32, #tpu.memory_space<vmem>>
          %dma_wait3A_274 = arith.constant 0 : i32
          %dma_wait3A_275 = arith.constant 0 : i32
          %dma_wait3A_276 = tpu.memref_slice %arg14[%dma_wait3A_274, %dma_wait3A_275] : memref<5120x128xf32, #tpu.memory_space<vmem_shared>> -> memref<5120x128xf32, #tpu.memory_space<vmem_shared>>
          tpu.wait_indirect_dma semaphore(%run_scoped3A_264 : memref<!tpu.dma_semaphore, #tpu.memory_space<semaphore_mem>>) src(%arg12 : memref<32x128xf32, #tpu.memory_space<vmem>>) dst(%dma_wait3A_276 : memref<5120x128xf32, #tpu.memory_space<vmem_shared>>)
          tpu.yield
        }) : () -> ()
        %dma_start3A_245 = arith.constant 1 : i32
        %dma_start3A_246 = arith.constant 0 : i32
        %dma_start3A_247 = tpu.memref_slice %arg7[%dma_start3A_245, %dma_start3A_246] : memref<2x32xi32, #tpu.memory_space<vmem>> -> memref<1x32xi32, #tpu.memory_space<vmem>>
        %dma_start3A_248 = tpu.memref_squeeze %dma_start3A_247 : memref<1x32xi32, #tpu.memory_space<vmem>> -> memref<32xi32, #tpu.memory_space<vmem>>
        %dma_start3A_249 = arith.constant 0 : i32
        %dma_start3A_250 = arith.constant 0 : i32
        %dma_start3A_251 = tpu.memref_slice %arg13[%dma_start3A_249, %dma_start3A_250] : memref<10000x128xf32, #tpu.memory_space<vmem_shared>> -> memref<10000x128xf32, #tpu.memory_space<vmem_shared>>
        tpu.enqueue_indirect_dma source(%dma_start3A_251 : memref<10000x128xf32, #tpu.memory_space<vmem_shared>>) target(%arg12 : memref<32x128xf32, #tpu.memory_space<vmem>>) offsets(%dma_start3A_248 : memref<32xi32, #tpu.memory_space<vmem>>) semaphore(%arg16 : memref<!tpu.dma_semaphore, #tpu.memory_space<semaphore_mem>>)
        %dma_start3A_252 = arith.constant 0 : i32
        %dma_start3A_253 = tpu.memref_slice %arg3[%arg1, %mul3A_152, %dma_start3A_252] : memref<16x640x32xi32, #tpu.memory_space<hbm>> -> memref<1x2x32xi32, #tpu.memory_space<hbm>>
        %dma_start3A_254 = tpu.memref_squeeze %dma_start3A_253 : memref<1x2x32xi32, #tpu.memory_space<hbm>> -> memref<2x32xi32, #tpu.memory_space<hbm>>
        %dma_start3A_255 = arith.constant 0 : i32
        %dma_start3A_256 = tpu.memref_slice %arg3[%arg1, %mul3A_152, %dma_start3A_255] : memref<16x640x32xi32, #tpu.memory_space<hbm>> -> memref<1x2x32xi32, #tpu.memory_space<hbm>>
        %dma_start3A_257 = tpu.memref_squeeze %dma_start3A_256 : memref<1x2x32xi32, #tpu.memory_space<hbm>> -> memref<2x32xi32, #tpu.memory_space<hbm>>
        tpu.enqueue_dma source(%dma_start3A_257 : memref<2x32xi32, #tpu.memory_space<hbm>>) target(%arg9 : memref<2x32xi32, #tpu.memory_space<vmem>>) target_semaphore(%arg18 : memref<!tpu.dma_semaphore, #tpu.memory_space<semaphore_mem>>)
        %dma_start3A_258 = arith.constant 0 : i32
        %dma_start3A_259 = tpu.memref_slice %arg5[%arg1, %mul3A_152, %dma_start3A_258] : memref<16x640x32xi32, #tpu.memory_space<hbm>> -> memref<1x2x32xi32, #tpu.memory_space<hbm>>
        %dma_start3A_260 = tpu.memref_squeeze %dma_start3A_259 : memref<1x2x32xi32, #tpu.memory_space<hbm>> -> memref<2x32xi32, #tpu.memory_space<hbm>>
        %dma_start3A_261 = arith.constant 0 : i32
        %dma_start3A_262 = tpu.memref_slice %arg5[%arg1, %mul3A_152, %dma_start3A_261] : memref<16x640x32xi32, #tpu.memory_space<hbm>> -> memref<1x2x32xi32, #tpu.memory_space<hbm>>
        %dma_start3A_263 = tpu.memref_squeeze %dma_start3A_262 : memref<1x2x32xi32, #tpu.memory_space<hbm>> -> memref<2x32xi32, #tpu.memory_space<hbm>>
        tpu.enqueue_dma source(%dma_start3A_263 : memref<2x32xi32, #tpu.memory_space<hbm>>) target(%arg10 : memref<2x32xi32, #tpu.memory_space<vmem>>) target_semaphore(%arg18 : memref<!tpu.dma_semaphore, #tpu.memory_space<semaphore_mem>>)
      }
      %scan3A_79 = arith.constant 159 : i32
      %dma_wait3A = arith.constant 0 : i32
      %dma_wait3A_80 = arith.constant 0 : i32
      %dma_wait3A_81 = tpu.memref_slice %arg7[%dma_wait3A, %dma_wait3A_80] : memref<2x32xi32, #tpu.memory_space<vmem>> -> memref<1x32xi32, #tpu.memory_space<vmem>>
      %dma_wait3A_82 = tpu.memref_squeeze %dma_wait3A_81 : memref<1x32xi32, #tpu.memory_space<vmem>> -> memref<32xi32, #tpu.memory_space<vmem>>
      %dma_wait3A_83 = arith.constant 0 : i32
      %dma_wait3A_84 = arith.constant 0 : i32
      %dma_wait3A_85 = tpu.memref_slice %arg13[%dma_wait3A_83, %dma_wait3A_84] : memref<10000x128xf32, #tpu.memory_space<vmem_shared>> -> memref<10000x128xf32, #tpu.memory_space<vmem_shared>>
      tpu.wait_indirect_dma semaphore(%arg15 : memref<!tpu.dma_semaphore, #tpu.memory_space<semaphore_mem>>) src(%dma_wait3A_85 : memref<10000x128xf32, #tpu.memory_space<vmem_shared>>) dst(%arg11 : memref<32x128xf32, #tpu.memory_space<vmem>>)
      %run_scoped3A = arith.constant 0 : i32
      "tpu.region"() ({
        %run_scoped3A_140 = tpu.sem_alloc : memref<!tpu.dma_semaphore, #tpu.memory_space<semaphore_mem>>
        %dma_start3A_141 = arith.constant 0 : i32
        %dma_start3A_142 = tpu.memref_slice %arg8[%run_scoped3A, %dma_start3A_141] : memref<2x32xi32, #tpu.memory_space<vmem>> -> memref<1x32xi32, #tpu.memory_space<vmem>>
        %dma_start3A_143 = tpu.memref_squeeze %dma_start3A_142 : memref<1x32xi32, #tpu.memory_space<vmem>> -> memref<32xi32, #tpu.memory_space<vmem>>
        %dma_start3A_144 = arith.constant 0 : i32
        %dma_start3A_145 = arith.constant 0 : i32
        %dma_start3A_146 = tpu.memref_slice %arg14[%dma_start3A_144, %dma_start3A_145] : memref<5120x128xf32, #tpu.memory_space<vmem_shared>> -> memref<5120x128xf32, #tpu.memory_space<vmem_shared>>
        tpu.enqueue_indirect_dma source(%arg11 : memref<32x128xf32, #tpu.memory_space<vmem>>) target(%dma_start3A_146 : memref<5120x128xf32, #tpu.memory_space<vmem_shared>>) offsets(%dma_start3A_143 : memref<32xi32, #tpu.memory_space<vmem>>) semaphore(%run_scoped3A_140 : memref<!tpu.dma_semaphore, #tpu.memory_space<semaphore_mem>>) {add = true}
        %dma_wait3A_147 = arith.constant 0 : i32
        %dma_wait3A_148 = tpu.memref_slice %arg8[%run_scoped3A, %dma_wait3A_147] : memref<2x32xi32, #tpu.memory_space<vmem>> -> memref<1x32xi32, #tpu.memory_space<vmem>>
        %dma_wait3A_149 = tpu.memref_squeeze %dma_wait3A_148 : memref<1x32xi32, #tpu.memory_space<vmem>> -> memref<32xi32, #tpu.memory_space<vmem>>
        %dma_wait3A_150 = arith.constant 0 : i32
        %dma_wait3A_151 = arith.constant 0 : i32
        %dma_wait3A_152 = tpu.memref_slice %arg14[%dma_wait3A_150, %dma_wait3A_151] : memref<5120x128xf32, #tpu.memory_space<vmem_shared>> -> memref<5120x128xf32, #tpu.memory_space<vmem_shared>>
        tpu.wait_indirect_dma semaphore(%run_scoped3A_140 : memref<!tpu.dma_semaphore, #tpu.memory_space<semaphore_mem>>) src(%arg11 : memref<32x128xf32, #tpu.memory_space<vmem>>) dst(%dma_wait3A_152 : memref<5120x128xf32, #tpu.memory_space<vmem_shared>>)
        tpu.yield
      }) : () -> ()
      %dma_wait3A_86 = arith.constant 638 : i32
      %dma_wait3A_87 = arith.constant 0 : i32
      %dma_wait3A_88 = tpu.memref_slice %arg3[%arg1, %dma_wait3A_86, %dma_wait3A_87] : memref<16x640x32xi32, #tpu.memory_space<hbm>> -> memref<1x2x32xi32, #tpu.memory_space<hbm>>
      %dma_wait3A_89 = tpu.memref_squeeze %dma_wait3A_88 : memref<1x2x32xi32, #tpu.memory_space<hbm>> -> memref<2x32xi32, #tpu.memory_space<hbm>>
      %dma_wait3A_90 = arith.constant 638 : i32
      %dma_wait3A_91 = arith.constant 0 : i32
      %dma_wait3A_92 = tpu.memref_slice %arg3[%arg1, %dma_wait3A_90, %dma_wait3A_91] : memref<16x640x32xi32, #tpu.memory_space<hbm>> -> memref<1x2x32xi32, #tpu.memory_space<hbm>>
      %dma_wait3A_93 = tpu.memref_squeeze %dma_wait3A_92 : memref<1x2x32xi32, #tpu.memory_space<hbm>> -> memref<2x32xi32, #tpu.memory_space<hbm>>
      tpu.wait_dma2 semaphore(%arg18 : memref<!tpu.dma_semaphore, #tpu.memory_space<semaphore_mem>>) src(%dma_wait3A_93 : memref<2x32xi32, #tpu.memory_space<hbm>>) dst(%arg9 : memref<2x32xi32, #tpu.memory_space<vmem>>)
      %dma_wait3A_94 = arith.constant 638 : i32
      %dma_wait3A_95 = arith.constant 0 : i32
      %dma_wait3A_96 = tpu.memref_slice %arg5[%arg1, %dma_wait3A_94, %dma_wait3A_95] : memref<16x640x32xi32, #tpu.memory_space<hbm>> -> memref<1x2x32xi32, #tpu.memory_space<hbm>>
      %dma_wait3A_97 = tpu.memref_squeeze %dma_wait3A_96 : memref<1x2x32xi32, #tpu.memory_space<hbm>> -> memref<2x32xi32, #tpu.memory_space<hbm>>
      %dma_wait3A_98 = arith.constant 638 : i32
      %dma_wait3A_99 = arith.constant 0 : i32
      %dma_wait3A_100 = tpu.memref_slice %arg5[%arg1, %dma_wait3A_98, %dma_wait3A_99] : memref<16x640x32xi32, #tpu.memory_space<hbm>> -> memref<1x2x32xi32, #tpu.memory_space<hbm>>
      %dma_wait3A_101 = tpu.memref_squeeze %dma_wait3A_100 : memref<1x2x32xi32, #tpu.memory_space<hbm>> -> memref<2x32xi32, #tpu.memory_space<hbm>>
      tpu.wait_dma2 semaphore(%arg18 : memref<!tpu.dma_semaphore, #tpu.memory_space<semaphore_mem>>) src(%dma_wait3A_101 : memref<2x32xi32, #tpu.memory_space<hbm>>) dst(%arg10 : memref<2x32xi32, #tpu.memory_space<vmem>>)
      %dma_start3A_102 = arith.constant 0 : i32
      %dma_start3A_103 = arith.constant 0 : i32
      %dma_start3A_104 = tpu.memref_slice %arg9[%dma_start3A_102, %dma_start3A_103] : memref<2x32xi32, #tpu.memory_space<vmem>> -> memref<1x32xi32, #tpu.memory_space<vmem>>
      %dma_start3A_105 = tpu.memref_squeeze %dma_start3A_104 : memref<1x32xi32, #tpu.memory_space<vmem>> -> memref<32xi32, #tpu.memory_space<vmem>>
      %dma_start3A_106 = arith.constant 0 : i32
      %dma_start3A_107 = arith.constant 0 : i32
      %dma_start3A_108 = tpu.memref_slice %arg13[%dma_start3A_106, %dma_start3A_107] : memref<10000x128xf32, #tpu.memory_space<vmem_shared>> -> memref<10000x128xf32, #tpu.memory_space<vmem_shared>>
      tpu.enqueue_indirect_dma source(%dma_start3A_108 : memref<10000x128xf32, #tpu.memory_space<vmem_shared>>) target(%arg11 : memref<32x128xf32, #tpu.memory_space<vmem>>) offsets(%dma_start3A_105 : memref<32xi32, #tpu.memory_space<vmem>>) semaphore(%arg15 : memref<!tpu.dma_semaphore, #tpu.memory_space<semaphore_mem>>)
      %dma_wait3A_109 = arith.constant 1 : i32
      %dma_wait3A_110 = arith.constant 0 : i32
      %dma_wait3A_111 = tpu.memref_slice %arg7[%dma_wait3A_109, %dma_wait3A_110] : memref<2x32xi32, #tpu.memory_space<vmem>> -> memref<1x32xi32, #tpu.memory_space<vmem>>
      %dma_wait3A_112 = tpu.memref_squeeze %dma_wait3A_111 : memref<1x32xi32, #tpu.memory_space<vmem>> -> memref<32xi32, #tpu.memory_space<vmem>>
      %dma_wait3A_113 = arith.constant 0 : i32
      %dma_wait3A_114 = arith.constant 0 : i32
      %dma_wait3A_115 = tpu.memref_slice %arg13[%dma_wait3A_113, %dma_wait3A_114] : memref<10000x128xf32, #tpu.memory_space<vmem_shared>> -> memref<10000x128xf32, #tpu.memory_space<vmem_shared>>
      tpu.wait_indirect_dma semaphore(%arg16 : memref<!tpu.dma_semaphore, #tpu.memory_space<semaphore_mem>>) src(%dma_wait3A_115 : memref<10000x128xf32, #tpu.memory_space<vmem_shared>>) dst(%arg12 : memref<32x128xf32, #tpu.memory_space<vmem>>)
      %run_scoped3A_116 = arith.constant 1 : i32
      "tpu.region"() ({
        %run_scoped3A_140 = tpu.sem_alloc : memref<!tpu.dma_semaphore, #tpu.memory_space<semaphore_mem>>
        %dma_start3A_141 = arith.constant 0 : i32
        %dma_start3A_142 = tpu.memref_slice %arg8[%run_scoped3A_116, %dma_start3A_141] : memref<2x32xi32, #tpu.memory_space<vmem>> -> memref<1x32xi32, #tpu.memory_space<vmem>>
        %dma_start3A_143 = tpu.memref_squeeze %dma_start3A_142 : memref<1x32xi32, #tpu.memory_space<vmem>> -> memref<32xi32, #tpu.memory_space<vmem>>
        %dma_start3A_144 = arith.constant 0 : i32
        %dma_start3A_145 = arith.constant 0 : i32
        %dma_start3A_146 = tpu.memref_slice %arg14[%dma_start3A_144, %dma_start3A_145] : memref<5120x128xf32, #tpu.memory_space<vmem_shared>> -> memref<5120x128xf32, #tpu.memory_space<vmem_shared>>
        tpu.enqueue_indirect_dma source(%arg12 : memref<32x128xf32, #tpu.memory_space<vmem>>) target(%dma_start3A_146 : memref<5120x128xf32, #tpu.memory_space<vmem_shared>>) offsets(%dma_start3A_143 : memref<32xi32, #tpu.memory_space<vmem>>) semaphore(%run_scoped3A_140 : memref<!tpu.dma_semaphore, #tpu.memory_space<semaphore_mem>>) {add = true}
        %dma_wait3A_147 = arith.constant 0 : i32
        %dma_wait3A_148 = tpu.memref_slice %arg8[%run_scoped3A_116, %dma_wait3A_147] : memref<2x32xi32, #tpu.memory_space<vmem>> -> memref<1x32xi32, #tpu.memory_space<vmem>>
        %dma_wait3A_149 = tpu.memref_squeeze %dma_wait3A_148 : memref<1x32xi32, #tpu.memory_space<vmem>> -> memref<32xi32, #tpu.memory_space<vmem>>
        %dma_wait3A_150 = arith.constant 0 : i32
        %dma_wait3A_151 = arith.constant 0 : i32
        %dma_wait3A_152 = tpu.memref_slice %arg14[%dma_wait3A_150, %dma_wait3A_151] : memref<5120x128xf32, #tpu.memory_space<vmem_shared>> -> memref<5120x128xf32, #tpu.memory_space<vmem_shared>>
        tpu.wait_indirect_dma semaphore(%run_scoped3A_140 : memref<!tpu.dma_semaphore, #tpu.memory_space<semaphore_mem>>) src(%arg12 : memref<32x128xf32, #tpu.memory_space<vmem>>) dst(%dma_wait3A_152 : memref<5120x128xf32, #tpu.memory_space<vmem_shared>>)
        tpu.yield
      }) : () -> ()
      %dma_start3A_117 = arith.constant 1 : i32
      %dma_start3A_118 = arith.constant 0 : i32
      %dma_start3A_119 = tpu.memref_slice %arg9[%dma_start3A_117, %dma_start3A_118] : memref<2x32xi32, #tpu.memory_space<vmem>> -> memref<1x32xi32, #tpu.memory_space<vmem>>
      %dma_start3A_120 = tpu.memref_squeeze %dma_start3A_119 : memref<1x32xi32, #tpu.memory_space<vmem>> -> memref<32xi32, #tpu.memory_space<vmem>>
      %dma_start3A_121 = arith.constant 0 : i32
      %dma_start3A_122 = arith.constant 0 : i32
      %dma_start3A_123 = tpu.memref_slice %arg13[%dma_start3A_121, %dma_start3A_122] : memref<10000x128xf32, #tpu.memory_space<vmem_shared>> -> memref<10000x128xf32, #tpu.memory_space<vmem_shared>>
      tpu.enqueue_indirect_dma source(%dma_start3A_123 : memref<10000x128xf32, #tpu.memory_space<vmem_shared>>) target(%arg12 : memref<32x128xf32, #tpu.memory_space<vmem>>) offsets(%dma_start3A_120 : memref<32xi32, #tpu.memory_space<vmem>>) semaphore(%arg16 : memref<!tpu.dma_semaphore, #tpu.memory_space<semaphore_mem>>)
      %dma_wait3A_124 = arith.constant 0 : i32
      %dma_wait3A_125 = arith.constant 0 : i32
      %dma_wait3A_126 = tpu.memref_slice %arg9[%dma_wait3A_124, %dma_wait3A_125] : memref<2x32xi32, #tpu.memory_space<vmem>> -> memref<1x32xi32, #tpu.memory_space<vmem>>
      %dma_wait3A_127 = tpu.memref_squeeze %dma_wait3A_126 : memref<1x32xi32, #tpu.memory_space<vmem>> -> memref<32xi32, #tpu.memory_space<vmem>>
      %dma_wait3A_128 = arith.constant 0 : i32
      %dma_wait3A_129 = arith.constant 0 : i32
      %dma_wait3A_130 = tpu.memref_slice %arg13[%dma_wait3A_128, %dma_wait3A_129] : memref<10000x128xf32, #tpu.memory_space<vmem_shared>> -> memref<10000x128xf32, #tpu.memory_space<vmem_shared>>
      tpu.wait_indirect_dma semaphore(%arg15 : memref<!tpu.dma_semaphore, #tpu.memory_space<semaphore_mem>>) src(%dma_wait3A_130 : memref<10000x128xf32, #tpu.memory_space<vmem_shared>>) dst(%arg11 : memref<32x128xf32, #tpu.memory_space<vmem>>)
      %run_scoped3A_131 = arith.constant 0 : i32
      "tpu.region"() ({
        %run_scoped3A_140 = tpu.sem_alloc : memref<!tpu.dma_semaphore, #tpu.memory_space<semaphore_mem>>
        %dma_start3A_141 = arith.constant 0 : i32
        %dma_start3A_142 = tpu.memref_slice %arg10[%run_scoped3A_131, %dma_start3A_141] : memref<2x32xi32, #tpu.memory_space<vmem>> -> memref<1x32xi32, #tpu.memory_space<vmem>>
        %dma_start3A_143 = tpu.memref_squeeze %dma_start3A_142 : memref<1x32xi32, #tpu.memory_space<vmem>> -> memref<32xi32, #tpu.memory_space<vmem>>
        %dma_start3A_144 = arith.constant 0 : i32
        %dma_start3A_145 = arith.constant 0 : i32
        %dma_start3A_146 = tpu.memref_slice %arg14[%dma_start3A_144, %dma_start3A_145] : memref<5120x128xf32, #tpu.memory_space<vmem_shared>> -> memref<5120x128xf32, #tpu.memory_space<vmem_shared>>
        tpu.enqueue_indirect_dma source(%arg11 : memref<32x128xf32, #tpu.memory_space<vmem>>) target(%dma_start3A_146 : memref<5120x128xf32, #tpu.memory_space<vmem_shared>>) offsets(%dma_start3A_143 : memref<32xi32, #tpu.memory_space<vmem>>) semaphore(%run_scoped3A_140 : memref<!tpu.dma_semaphore, #tpu.memory_space<semaphore_mem>>) {add = true}
        %dma_wait3A_147 = arith.constant 0 : i32
        %dma_wait3A_148 = tpu.memref_slice %arg10[%run_scoped3A_131, %dma_wait3A_147] : memref<2x32xi32, #tpu.memory_space<vmem>> -> memref<1x32xi32, #tpu.memory_space<vmem>>
        %dma_wait3A_149 = tpu.memref_squeeze %dma_wait3A_148 : memref<1x32xi32, #tpu.memory_space<vmem>> -> memref<32xi32, #tpu.memory_space<vmem>>
        %dma_wait3A_150 = arith.constant 0 : i32
        %dma_wait3A_151 = arith.constant 0 : i32
        %dma_wait3A_152 = tpu.memref_slice %arg14[%dma_wait3A_150, %dma_wait3A_151] : memref<5120x128xf32, #tpu.memory_space<vmem_shared>> -> memref<5120x128xf32, #tpu.memory_space<vmem_shared>>
        tpu.wait_indirect_dma semaphore(%run_scoped3A_140 : memref<!tpu.dma_semaphore, #tpu.memory_space<semaphore_mem>>) src(%arg11 : memref<32x128xf32, #tpu.memory_space<vmem>>) dst(%dma_wait3A_152 : memref<5120x128xf32, #tpu.memory_space<vmem_shared>>)
        tpu.yield
      }) : () -> ()
      %dma_wait3A_132 = arith.constant 1 : i32
      %dma_wait3A_133 = arith.constant 0 : i32
      %dma_wait3A_134 = tpu.memref_slice %arg9[%dma_wait3A_132, %dma_wait3A_133] : memref<2x32xi32, #tpu.memory_space<vmem>> -> memref<1x32xi32, #tpu.memory_space<vmem>>
      %dma_wait3A_135 = tpu.memref_squeeze %dma_wait3A_134 : memref<1x32xi32, #tpu.memory_space<vmem>> -> memref<32xi32, #tpu.memory_space<vmem>>
      %dma_wait3A_136 = arith.constant 0 : i32
      %dma_wait3A_137 = arith.constant 0 : i32
      %dma_wait3A_138 = tpu.memref_slice %arg13[%dma_wait3A_136, %dma_wait3A_137] : memref<10000x128xf32, #tpu.memory_space<vmem_shared>> -> memref<10000x128xf32, #tpu.memory_space<vmem_shared>>
      tpu.wait_indirect_dma semaphore(%arg16 : memref<!tpu.dma_semaphore, #tpu.memory_space<semaphore_mem>>) src(%dma_wait3A_138 : memref<10000x128xf32, #tpu.memory_space<vmem_shared>>) dst(%arg12 : memref<32x128xf32, #tpu.memory_space<vmem>>)
      %run_scoped3A_139 = arith.constant 1 : i32
      "tpu.region"() ({
        %run_scoped3A_140 = tpu.sem_alloc : memref<!tpu.dma_semaphore, #tpu.memory_space<semaphore_mem>>
        %dma_start3A_141 = arith.constant 0 : i32
        %dma_start3A_142 = tpu.memref_slice %arg10[%run_scoped3A_139, %dma_start3A_141] : memref<2x32xi32, #tpu.memory_space<vmem>> -> memref<1x32xi32, #tpu.memory_space<vmem>>
        %dma_start3A_143 = tpu.memref_squeeze %dma_start3A_142 : memref<1x32xi32, #tpu.memory_space<vmem>> -> memref<32xi32, #tpu.memory_space<vmem>>
        %dma_start3A_144 = arith.constant 0 : i32
        %dma_start3A_145 = arith.constant 0 : i32
        %dma_start3A_146 = tpu.memref_slice %arg14[%dma_start3A_144, %dma_start3A_145] : memref<5120x128xf32, #tpu.memory_space<vmem_shared>> -> memref<5120x128xf32, #tpu.memory_space<vmem_shared>>
        tpu.enqueue_indirect_dma source(%arg12 : memref<32x128xf32, #tpu.memory_space<vmem>>) target(%dma_start3A_146 : memref<5120x128xf32, #tpu.memory_space<vmem_shared>>) offsets(%dma_start3A_143 : memref<32xi32, #tpu.memory_space<vmem>>) semaphore(%run_scoped3A_140 : memref<!tpu.dma_semaphore, #tpu.memory_space<semaphore_mem>>) {add = true}
        %dma_wait3A_147 = arith.constant 0 : i32
        %dma_wait3A_148 = tpu.memref_slice %arg10[%run_scoped3A_139, %dma_wait3A_147] : memref<2x32xi32, #tpu.memory_space<vmem>> -> memref<1x32xi32, #tpu.memory_space<vmem>>
        %dma_wait3A_149 = tpu.memref_squeeze %dma_wait3A_148 : memref<1x32xi32, #tpu.memory_space<vmem>> -> memref<32xi32, #tpu.memory_space<vmem>>
        %dma_wait3A_150 = arith.constant 0 : i32
        %dma_wait3A_151 = arith.constant 0 : i32
        %dma_wait3A_152 = tpu.memref_slice %arg14[%dma_wait3A_150, %dma_wait3A_151] : memref<5120x128xf32, #tpu.memory_space<vmem_shared>> -> memref<5120x128xf32, #tpu.memory_space<vmem_shared>>
        tpu.wait_indirect_dma semaphore(%run_scoped3A_140 : memref<!tpu.dma_semaphore, #tpu.memory_space<semaphore_mem>>) src(%arg12 : memref<32x128xf32, #tpu.memory_space<vmem>>) dst(%dma_wait3A_152 : memref<5120x128xf32, #tpu.memory_space<vmem_shared>>)
        tpu.yield
      }) : () -> ()
    } else {
    }
    %barrier3A_44 = arith.constant 0 : index
    tpu.barrier barrier_id(%barrier3A_44)
    "tpu.region"() ({
      %run_scoped3A = tpu.sem_alloc : memref<!tpu.dma_semaphore, #tpu.memory_space<semaphore_mem>>
      %dma_start3A = arith.constant 0 : i32
      %dma_start3A_45 = tpu.memref_slice %arg6[%arg0, %mul3A_14, %dma_start3A] : memref<2x5120x128xf32, #tpu.memory_space<hbm>> -> memref<1x320x128xf32, #tpu.memory_space<hbm>>
      %dma_start3A_46 = tpu.memref_squeeze %dma_start3A_45 : memref<1x320x128xf32, #tpu.memory_space<hbm>> -> memref<320x128xf32, #tpu.memory_space<hbm>>
      %dma_start3A_47 = arith.constant 0 : i32
      %dma_start3A_48 = tpu.memref_slice %arg14[%mul3A_14, %dma_start3A_47] : memref<5120x128xf32, #tpu.memory_space<vmem_shared>> -> memref<320x128xf32, #tpu.memory_space<vmem_shared>>
      tpu.enqueue_dma source(%dma_start3A_48 : memref<320x128xf32, #tpu.memory_space<vmem_shared>>) target(%dma_start3A_46 : memref<320x128xf32, #tpu.memory_space<hbm>>) target_semaphore(%run_scoped3A : memref<!tpu.dma_semaphore, #tpu.memory_space<semaphore_mem>>)
      %dma_wait3A = arith.constant 0 : i32
      %dma_wait3A_49 = tpu.memref_slice %arg6[%arg0, %mul3A_14, %dma_wait3A] : memref<2x5120x128xf32, #tpu.memory_space<hbm>> -> memref<1x320x128xf32, #tpu.memory_space<hbm>>
      %dma_wait3A_50 = tpu.memref_squeeze %dma_wait3A_49 : memref<1x320x128xf32, #tpu.memory_space<hbm>> -> memref<320x128xf32, #tpu.memory_space<hbm>>
      %dma_wait3A_51 = arith.constant 0 : i32
      %dma_wait3A_52 = tpu.memref_slice %arg14[%mul3A_14, %dma_wait3A_51] : memref<5120x128xf32, #tpu.memory_space<vmem_shared>> -> memref<320x128xf32, #tpu.memory_space<vmem_shared>>
      tpu.wait_dma2 semaphore(%run_scoped3A : memref<!tpu.dma_semaphore, #tpu.memory_space<semaphore_mem>>) src(%dma_wait3A_52 : memref<320x128xf32, #tpu.memory_space<vmem_shared>>) dst(%dma_wait3A_50 : memref<320x128xf32, #tpu.memory_space<hbm>>)
      tpu.yield
    }) : () -> ()
    return
  }
}

module attributes {stable_mosaic.version = 14 : i64} {
  func.func @_tc_finalize_body(%arg0: i32, %arg1: memref<1000x128xf32, #tpu.memory_space<vmem>>, %arg2: memref<1x1000x128xf32, #tpu.memory_space<vmem>>, %arg3: memref<1x1xf32, #tpu.memory_space<vmem>>, %arg4: memref<1x1xf32, #tpu.memory_space<vmem>>, %arg5: memref<1000x128xf32, #tpu.memory_space<vmem>>) attributes {dimension_semantics = [#tpu.dimension_semantics<arbitrary>], iteration_bounds = array<i64: 10>, scalar_prefetch = 0 : i64, scratch_operands = 0 : i64, tpu.core_type = #tpu.core_type<tc>, window_params = [{transform_indices = @transform_0, window_bounds = array<i64: 1000, 128>}, {transform_indices = @transform_1, window_bounds = array<i64: 1, 1000, 128>}, {pipeline_mode = #tpu.pipeline_mode<synchronous>, transform_indices = @transform_2, window_bounds = array<i64: 1, 1>}, {pipeline_mode = #tpu.pipeline_mode<synchronous>, transform_indices = @transform_3, window_bounds = array<i64: 1, 1>}, {transform_indices = @transform_4, window_bounds = array<i64: 1000, 128>}]} {
    %get3A = arith.constant 0 : index
    %get3A_0 = arith.constant 0 : index
    %get3A_1 = vector.load %arg3[%get3A, %get3A_0] : memref<1x1xf32, #tpu.memory_space<vmem>>, vector<1x1xf32>
    %get3A_2 = vector.extract %get3A_1[0, 0] : f32 from vector<1x1xf32>
    %max3A = arith.constant 0.000000e+00 : f32
    %max3A_3 = arith.maximumf %get3A_2, %max3A : f32
    %get3A_4 = arith.constant 0 : index
    %get3A_5 = arith.constant 0 : index
    %get3A_6 = vector.load %arg4[%get3A_4, %get3A_5] : memref<1x1xf32, #tpu.memory_space<vmem>>, vector<1x1xf32>
    %get3A_7 = vector.extract %get3A_6[0, 0] : f32 from vector<1x1xf32>
    %max3A_8 = arith.constant 0.000000e+00 : f32
    %max3A_9 = arith.maximumf %get3A_7, %max3A_8 : f32
    %add3A = arith.addf %max3A_3, %max3A_9 : f32
    %add3A_10 = arith.constant 9.99999997E-7 : f32
    %add3A_11 = arith.addf %add3A, %add3A_10 : f32
    %get3A_12 = arith.constant 0 : index
    %get3A_13 = arith.constant 0 : index
    %get3A_14 = arith.constant 0 : index
    %get3A_15 = vector.load %arg2[%get3A_12, %get3A_13, %get3A_14] : memref<1x1000x128xf32, #tpu.memory_space<vmem>>, vector<1x1000x128xf32>
    %get3A_16 = vector.shape_cast %get3A_15 : vector<1x1000x128xf32> to vector<1000x128xf32>
    %div3A = arith.divf %max3A_3, %add3A_11 : f32
    %get3A_17 = arith.constant 0 : index
    %get3A_18 = arith.constant 0 : index
    %get3A_19 = vector.load %arg1[%get3A_17, %get3A_18] : memref<1000x128xf32, #tpu.memory_space<vmem>>, vector<1000x128xf32>
    %mul3A = vector.broadcast %div3A : f32 to vector<1000x128xf32>
    %mul3A_20 = arith.mulf %mul3A, %get3A_19 : vector<1000x128xf32>
    %div3A_21 = arith.divf %max3A_9, %add3A_11 : f32
    %mul3A_22 = vector.broadcast %div3A_21 : f32 to vector<1000x128xf32>
    %mul3A_23 = arith.mulf %mul3A_22, %get3A_16 : vector<1000x128xf32>
    %add3A_24 = arith.addf %mul3A_20, %mul3A_23 : vector<1000x128xf32>
    %swap3A = arith.constant 0 : index
    %swap3A_25 = arith.constant 0 : index
    %swap3A_26 = vector.load %arg5[%swap3A, %swap3A_25] : memref<1000x128xf32, #tpu.memory_space<vmem>>, vector<1000x128xf32>
    tpu.vector_store %arg5[%swap3A, %swap3A_25], %add3A_24 {strides = array<i32>} : memref<1000x128xf32, #tpu.memory_space<vmem>>, vector<1000x128xf32>,
    return
  }
  func.func @transform_0(%arg0: i32) -> (i32, i32) {
    %c0_i32 = arith.constant 0 : i32
    %c0_i32_0 = arith.constant 0 : i32
    return %arg0, %c0_i32 : i32, i32
  }
  func.func @transform_1(%arg0: i32) -> (i32, i32, i32) {
    %jit3A = arith.constant 5 : i32
    %div3A = arith.divsi %arg0, %jit3A : i32
    %sign3A = arith.constant 0 : i32
    %sign3A_0 = arith.cmpi sgt, %arg0, %sign3A : i32
    %sign3A_1 = arith.extui %sign3A_0 : i1 to i32
    %sign3A_2 = arith.constant 0 : i32
    %sign3A_3 = arith.cmpi slt, %arg0, %sign3A_2 : i32
    %sign3A_4 = arith.extui %sign3A_3 : i1 to i32
    %sign3A_5 = arith.subi %sign3A_1, %sign3A_4 : i32
    %sign3A_6 = arith.constant 0 : i32
    %sign3A_7 = arith.cmpi sgt, %jit3A, %sign3A_6 : i32
    %sign3A_8 = arith.extui %sign3A_7 : i1 to i32
    %sign3A_9 = arith.constant 0 : i32
    %sign3A_10 = arith.cmpi slt, %jit3A, %sign3A_9 : i32
    %sign3A_11 = arith.extui %sign3A_10 : i1 to i32
    %sign3A_12 = arith.subi %sign3A_8, %sign3A_11 : i32
    %ne3A = arith.cmpi ne, %sign3A_5, %sign3A_12 : i32
    %rem3A = arith.remsi %arg0, %jit3A : i32
    %ne3A_13 = arith.constant 0 : i32
    %ne3A_14 = arith.cmpi ne, %rem3A, %ne3A_13 : i32
    %and3A = arith.andi %ne3A, %ne3A_14 : i1
    %sub3A = arith.constant 1 : i32
    %sub3A_15 = arith.subi %div3A, %sub3A : i32
    %select_n3A = arith.select %and3A, %sub3A_15, %div3A : i32
    %jit3A_16 = arith.constant 5 : i32
    %eq3A = arith.constant 0 : i32
    %eq3A_17 = arith.cmpi eq, %jit3A_16, %eq3A : i32
    %jit3A_18 = arith.constant 1 : i32
    %select_n3A_19 = arith.select %eq3A_17, %jit3A_18, %jit3A_16 : i32
    %rem3A_20 = arith.remsi %arg0, %select_n3A_19 : i32
    %ne3A_21 = arith.constant 0 : i32
    %ne3A_22 = arith.cmpi ne, %rem3A_20, %ne3A_21 : i32
    %lt3A = arith.constant 0 : i32
    %lt3A_23 = arith.cmpi slt, %rem3A_20, %lt3A : i32
    %lt3A_24 = arith.constant 0 : i32
    %lt3A_25 = arith.cmpi slt, %select_n3A_19, %lt3A_24 : i32
    %ne3A_26 = arith.xori %lt3A_23, %lt3A_25 : i1
    %and3A_27 = arith.andi %ne3A_26, %ne3A_22 : i1
    %add3A = arith.addi %rem3A_20, %select_n3A_19 : i32
    %select_n3A_28 = arith.select %and3A_27, %add3A, %rem3A_20 : i32
    %c0_i32 = arith.constant 0 : i32
    %c0_i32_29 = arith.constant 0 : i32
    return %select_n3A, %select_n3A_28, %c0_i32 : i32, i32, i32
  }
  func.func @transform_2(%arg0: i32) -> (i32, i32) {
    %c0_i32 = arith.constant 0 : i32
    %c0_i32_0 = arith.constant 0 : i32
    %c0_i32_1 = arith.constant 0 : i32
    return %c0_i32, %c0_i32_0 : i32, i32
  }
  func.func @transform_3(%arg0: i32) -> (i32, i32) {
    %c0_i32 = arith.constant 0 : i32
    %c0_i32_0 = arith.constant 0 : i32
    %c0_i32_1 = arith.constant 0 : i32
    return %c0_i32, %c0_i32_0 : i32, i32
  }
  func.func @transform_4(%arg0: i32) -> (i32, i32) {
    %c0_i32 = arith.constant 0 : i32
    %c0_i32_0 = arith.constant 0 : i32
    return %arg0, %c0_i32 : i32, i32
  }
}

</mosaic_0001>

<sc_bundles>
// kernel: kernel.4.cloned.1.call-start
scs
__scs_entry_jumppad:
0x0: {  	(pc) =	sbr.rel $0x88, $3  }
0x1: {  	(tag) =	ssettag $0x0;
	lr =	simm.s32 $0x1  }
0x2: {  	[smem:$0x3F9D] =	sst lr;
	_ =	strace $0xD0000000  }
0x3: {  	_ = 	snop  }
0x4: {  	_ = 	snop  }
0x5: {  	_ = 	snop  }
0x6: {  	_ = 	snop  }
0x7: {  	_ = 	snop  }
__scs_overlays_trampoline_lowered:
0x8: {  	[smem:$0x3FAC] =	sst s0  }
0x9: {  	[smem:$0x3FAD] =	sst s1  }
0xa: {  	[smem:$0x3FAE] =	sst s2  }
0xb: {  	[smem:$0x3FAF] =	sst s3  }
0xc: {  	[smem:$0x3FB0] =	sst s4  }
0xd: {  	[smem:$0x3FB1] =	sst s5  }
0xe: {  	[smem:$0x3FB2] =	sst s6  }
0xf: {  	[smem:$0x3FB3] =	sst s7  }
0x10: {  	[smem:$0x3FB4] =	sst s8  }
0x11: {  	[smem:$0x3FB5] =	sst s9;
	s0 =	simm.s32 @!p0 $0x0  }
0x12: {  	s1 =	sld [smem:$0x3F9B];
	s0 =	simm.s32 @p0 $0x1  }
0x13: {  	[smem:$0x3FB6] =	sst s0;
	s0 =	simm.s32 @!p1 $0x0  }
0x14: {  	s2 =	sld [smem:$0x3F9A];
	s0 =	simm.s32 @p1 $0x1  }
0x15: {  	[smem:$0x3FB7] =	sst s0;
	s0 =	simm.s32 @!p2 $0x0  }
0x16: {  	s3 =	sld [smem:$0x3FDB];
	s0 =	simm.s32 @p2 $0x1  }
0x17: {  	s4 =	simm.s32 $0x1BF5;
	[smem:$0x3FB9] =	sst s0  }
0x18: {  	s0 =	sld [smem:$0x3F9C];
	_ =	swait.ge [sflag:s4], $0x0  }
0x19: {  	s7 =	sld [smem:$0x3F9D]  }
0x1a: {  	s8 =	sadd.s32 $0xFFFFE003, lr  }
0x1b: {  	s9 =	sadd.s32 $0xFFFFFEF7, lr;
	s5 =	simm.s32 $0xFFFFFFFF;
	p2 =	slt.u32 s8, $0xFFFFF086  }
0x1c: {  	p1 =	slt.u32 s9, $0xF7A;
	s5 =	simm.s32 @!p2 $0x0  }
0x1d: {  	s5 =	simm.s32 @p1 $0x1;
	p0 =	seq.s32 s7, s2  }
0x1e: {  	s7 =	smul.u32 @!p0 $0xF7A, s2;
	p2 =	seq.s32 @!p0 s5, $0x0  }
0x1f: {  	s9 =	smul.u32 $0xF7A, s1;
	s8 =	simm.s32 @!p0 $0x1BF5;
	p2 =	por !p2, p0  }
0x20: {  	[sflag:s8] =	ssyncset.s32 @!p0 $0xFFFFF086;
	s6 =	sadd.s32 @!p0 s3, s7;
	s7 =	simm.s32 @!p0 $0x108  }
0x21: {  	s3 =	sadd.s32 s3, s9;
	s6 =	sadd.s32 @!p0 $0x88, s6;
	s7 =	simm.s32 @p2 $0x1082  }
0x22: {  	[simem:s7], [sflag:s8] =	dma.local @!p0 [hbm:s6], $0xF7A  }
0x23: {  	s9 =	sor.u32 $0xD0000000, s2;
	s6 =	simm.s32 $0x108;
	_ =	swait.ge @!p0 [sflag:s8], $0x0  }
0x24: {  	s3 =	sadd.s32 $0x88, s3;
	s6 =	simm.s32 @!p1 $0x1082;
	[sflag:s4] =	ssyncset.s32 $0xFFFFF086  }
0x25: {  	[simem:s6], [sflag:s4] =	dma.local [hbm:s3], $0xF7A  }
0x26: {  	[smem:$0x3F9D] =	sst s1;
	(tag) =	ssettag s2;
	_ =	strace s9  }
0x27: {  	s1 =	sld [smem:$0x3FAD]  }
0x28: {  	s2 =	sld [smem:$0x3FAE]  }
0x29: {  	s4 =	sld [smem:$0x3FB0]  }
0x2a: {  	p0 =	seq.s32 s5, $0x0;
	s5 =	sld [smem:$0x3FB1]  }
0x2b: {  	s6 =	sld [smem:$0x3FB2]  }
0x2c: {  	s7 =	sld [smem:$0x3FB3]  }
0x2d: {  	s3 =	simm.s32 $0x108;
	s8 =	sld [smem:$0x3FB4]  }
0x2e: {  	s3 =	simm.s32 @!p0 $0x1082;
	s9 =	sld [smem:$0x3FB5]  }
0x2f: {  	lr =	sadd.s32 s0, s3;
	s0 =	sld [smem:$0x3FAC]  }
0x30: {  	s3 =	sld [smem:$0x3FAF]  }
0x31: {  	[smem:$0x3FB8] =	sst s10  }
0x32: {  	s10 =	sld [smem:$0x3FB6];
	_ =	sdelay $0x3  }
0x33: {  	p0 =	seq.s32 s10, $0x1;
	s10 =	sld [smem:$0x3FB8];
	_ =	sdelay $0x3  }
0x34: {  	[smem:$0x3FB8] =	sst s10  }
0x35: {  	s10 =	sld [smem:$0x3FB7];
	_ =	sdelay $0x3  }
0x36: {  	p1 =	seq.s32 s10, $0x1;
	s10 =	sld [smem:$0x3FB8];
	_ =	sdelay $0x3  }
0x37: {  	[smem:$0x3FB8] =	sst s10  }
0x38: {  	s10 =	sld [smem:$0x3FB9]  }
0x39: {  	_ = 	snop;
	(pc) =	sbr.ind lr, $3  }
0x3a: {  	_ = 	snop  }
0x3b: {  	_ = 	snop  }
0x3c: {  	p2 =	seq.s32 s10, $0x1;
	s10 =	sld [smem:$0x3FB8]  }
0x3d: {  	_ =	shalt  }
0x3e: {  	_ =	shalt  }
0x3f: {  	_ =	shalt  }
0x40: {  	_ =	shalt  }
0x41: {  	_ =	shalt  }
0x42: {  	_ =	shalt  }
0x43: {  	_ =	shalt  }
0x44: {  	_ =	shalt  }
0x45: {  	_ =	shalt  }
0x46: {  	_ =	shalt  }
0x47: {  	_ =	shalt  }
0x48: {  	_ =	shalt  }
0x49: {  	_ =	shalt  }
0x4a: {  	_ =	shalt  }
0x4b: {  	_ =	shalt  }
0x4c: {  	_ =	shalt  }
0x4d: {  	_ =	shalt  }
0x4e: {  	_ =	shalt  }
0x4f: {  	_ =	shalt  }
0x50: {  	_ =	shalt  }
0x51: {  	_ =	shalt  }
0x52: {  	_ =	shalt  }
0x53: {  	_ =	shalt  }
0x54: {  	_ =	shalt  }
0x55: {  	_ =	shalt  }
0x56: {  	_ =	shalt  }
0x57: {  	_ =	shalt  }
0x58: {  	_ =	shalt  }
0x59: {  	_ =	shalt  }
0x5a: {  	_ =	shalt  }
0x5b: {  	_ =	shalt  }
0x5c: {  	_ =	shalt  }
0x5d: {  	_ =	shalt  }
0x5e: {  	_ =	shalt  }
0x5f: {  	_ =	shalt  }
0x60: {  	_ =	shalt  }
0x61: {  	_ =	shalt  }
0x62: {  	_ =	shalt  }
0x63: {  	_ =	shalt  }
0x64: {  	_ =	shalt  }
0x65: {  	_ =	shalt  }
0x66: {  	_ =	shalt  }
0x67: {  	_ =	shalt  }
0x68: {  	_ =	shalt  }
0x69: {  	_ =	shalt  }
0x6a: {  	_ =	shalt  }
0x6b: {  	_ =	shalt  }
0x6c: {  	_ =	shalt  }
0x6d: {  	_ =	shalt  }
0x6e: {  	_ =	shalt  }
0x6f: {  	_ =	shalt  }
0x70: {  	_ =	shalt  }
0x71: {  	_ =	shalt  }
0x72: {  	_ =	shalt  }
0x73: {  	_ =	shalt  }
0x74: {  	_ =	shalt  }
0x75: {  	_ =	shalt  }
0x76: {  	_ =	shalt  }
0x77: {  	_ =	shalt  }
0x78: {  	_ =	shalt  }
0x79: {  	_ =	shalt  }
0x7a: {  	_ =	shalt  }
0x7b: {  	_ =	shalt  }
0x7c: {  	_ =	shalt  }
0x7d: {  	_ =	shalt  }
0x7e: {  	_ =	shalt  }
0x7f: {  	_ =	shalt  }
0x80: {  	_ =	shalt  }
0x81: {  	_ =	shalt  }
0x82: {  	_ =	shalt  }
0x83: {  	_ =	shalt  }
0x84: {  	_ =	shalt  }
0x85: {  	_ =	shalt  }
0x86: {  	_ =	shalt  }
0x87: {  	_ =	shalt  }
.Lfunc_end0:
.L_simem_size_0:
called_computation_lowered:
.L_overlay_start_0:
0x88: {  	s2 =	sld [smem:$0x3FD9]  }
0x89: {  	s3 =	sld [smem:$0x3FFE];
	_ =	sdelay $0x1  }
0x8a: {  	s1 =	srdreg.scid  }
0x8b: {  	s0 =	sand.u32 $0x1, s1  }
0x8c: {  	s17 =	sshll.u32 s0, $0xA;
	s2 =	sadd.s32 s3, s2  }
0x8d: {  	s2 =	sadd.s32 s2, s17  }
0x8e: {  	[smem:$0x3FC4] =	sst s2  }
0x8f: {  	_ = 	snop  }
0x90: {  	s2 =	sld [smem:$0x3FC9];
	(tm) =	ssettm $0x1  }
0x91: {  	s18 =	sld [smem:$0x3FFB];
	_ =	sdelay $0x3  }
0x92: {  	_ =	strace s18  }
0x93: {  	s3 =	sld [smem:$0x3FFC];
	_ =	sdelay $0x3  }
0x94: {  	_ =	strace s3  }
0x95: {  	s3 =	sld [smem:$0x3FFD];
	_ =	sdelay $0x3  }
0x96: {  	_ =	strace s3  }
0x97: {  	_ =	strace $0x8FFFFFFF  }
0x98: {  	s19 =	sld [smem:$0x3FDB];
	_ =	sdelay $0x1  }
0x99: {  	s4 =	simm.s32 $_scs_section_size  }
0x9a: {  	s5 =	simm.s32 $_size__tile_overlayer_lowered;
	s6 =	simm.s32 $_tile_overlayer_lowered  }
0x9b: {  	s22 =	simm.s32 $0x1BFF;
	s21 =	sshll.u32 s6, $0x1;
	s3 =	sadd.s32 s4, s19  }
0x9c: {  	s7 =	simm.s32 $0x0;
	s20 =	sshll.u32 s5, $0x1;
	s5 =	sadd.s32 s21, s3  }
0x9d: {  	[timem:s7], [sflag:s22] =	dma.local [hbm:s5], s20  }
0x9e: {  	_ =	swait.ge [sflag:s22], s20  }
0x9f: {  	s4 =	ssub.s32 $0x0, s20;
	[sflag:s22] =	ssyncset.done $0x0  }
0xa0: {  	[sflag:s22] =	ssyncadd.s32 s4;
	_ =	sdelay $0x1  }
0xa1: {  	s23 =	simm.s32 $0x1B8B  }
0xa2: {  	_ =	swait.ge [sflag:s23], $0x1  }
0xa3: {  	[sflag:s23] =	ssyncset.done $0x0  }
0xa4: {  	s25 =	simm.s32 $0x1B8E;
	s24 =	sld [smem:$0x3FFE];
	[sflag:s23] =	ssyncadd.s32 $0xFFFFFFFF  }
0xa5: {  	s26 =	simm.s32 $execute0_lowered;
	[smem:$0x3FD2] =	sst s25  }
0xa6: {  	s5 =	sshll.u32 s26, $0x1;
	_ =	strace $0x80000046;
	[dreg:$0x1] =	wrdreg $0xFFFFFFFF  }
0xa7: {  	s28 =	simm.s32 $_size_execute0_lowered;
	s3 =	sadd.s32 s3, s5;
	[dreg:$0x0] =	wrdreg $0x0  }
0xa8: {  	s5 =	sshll.u32 s28, $0x1;
	[dreg:$0x2] =	wrdreg s3  }
0xa9: {  	[dreg:$0x3] =	wrdreg s5  }
0xaa: {  	[dreg:$0x4] =	wrdreg $0xC0  }
0xab: {  	_ =	task [dreg:s7], $0x5FFFF  }
0xac: {  	[dreg:$0x1] =	wrdreg $0xFFFFFFFF  }
0xad: {  	[dreg:$0x0] =	wrdreg $0x60  }
0xae: {  	[dreg:$0x2] =	wrdreg s2  }
0xaf: {  	[dreg:$0x3] =	wrdreg s24  }
0xb0: {  	[dreg:$0x4] =	wrdreg $0x24000  }
0xb1: {  	[dreg:$0x5] =	wrdreg $0x15C800  }
0xb2: {  	[dreg:$0x6] =	wrdreg $0x9  }
0xb3: {  	_ =	task.clear_ibuf [dreg:s7], $0x7FFFF;
	_ =	strace $0x90000046  }
0xb4: {  	s29 =	simm.s32 $0x9;
	_ =	strace $0x80000048  }
0xb5: {  	_ =	swait.ge [sflag:s29], $0x1  }
0xb6: {  	[sflag:s29] =	ssyncadd.s32 $0xFFFFFFFF  }
0xb7: {  	_ =	strace $0x90000048  }
0xb8: {  	_ =	sfence  }
0xb9: {  	s30 =	sld [smem:$0x0];
	_ =	sdelay $0x2  }
0xba: {  	s31 =	sshll.u32 s1, $0xD;
	s1 =	sshrl.u32 s1, $0x2  }
0xbb: {  	s3 =	sand.u32 $0x4000, s31;
	s1 =	sadd.s32 s1, s30  }
0xbc: {  	s0 =	sor.u32 s3, s0;
	s1 =	sshll.u32 s1, $0x11  }
0xbd: {  	s0 =	sor.u32 s1, s0  }
0xbe: {  	s0 =	sadd.s32 $0x8F2B, s0  }
0xbf: {  	[sflag:s0] =	ssyncadd.remote.s32 $0x1  }
0xc0: {  	_ =	sfence.sel $0xFFFF  }
0xc1: {  	[dreg:$0x0] =	wrdreg $0xFFFFFFFF;
	(pc) =	sbr.abs _section_cstart, $3  }
0xc2: {  	[dreg:$0x1] =	wrdreg $0xFFFFFFFF  }
0xc3: {  	_ =	task.clear_ibuf [dreg:s7], $0x2FFFF;
	_ =	strace $0x9FFFFFFF  }
0xc4: {  	(tm) =	ssettm $0x7FFFFFFF  }
0xc5: {  	_ =	shalt  }
tec
execute0_lowered:
.L_overlay_start_1:
0x0: {  	(tag) =	ssettag $0x1  }
0x1: {  	s0 =	rddreg [dreg:$0x0]  }
0x2: {  	s8 =	rddreg [dreg:$0x1];
	s3 =	srdreg.scid  }
0x3: {  	s1 =	rddreg [dreg:$0x2];
	s9 =	sand.u32 $0x1, s3  }
0x4: {  	s3 =	stileid.u32;
	s10 =	smul.u32 $0xA0000, s9  }
0x5: {  	s2 =	rddreg [dreg:$0x3];
	s4 =	simm.s32 $0x0;
	s11 =	smul.u32 $0xA000, s3  }
0x6: {  	[smem:$0x7FF] =	sst s4;
	s5 =	sadd.s32 $0x50A00, s8;
	s24 =	smul.u32 $0x4F000, s3  }
0x7: {  	s6 =	sadd.s32 $0xA00, s8;
	s7 =	sadd.s32 $0x28A00, s8;
	s13 =	smul.u32 $0x2780, s3  }
0x8: {  	_ =	strace $0x80000047;
	s12 =	ssub.s32 $0x2, s9;
	s15 =	smul.u32 $0x28000, s3  }
0x9: {  	p0 =	seq.s32 s9, $0x1;
	p1 =	seq.s32 s3, $0xF;
	s9 =	simm.s32 $0x1400  }
0xa: {  	s14 =	sshrl.u32 s12, $0x1;
	s10 =	sadd.s32 s11, s10;
	s11 =	sshrl.u32 s24, $0x2  }
0xb: {  	s12 =	ssub.s32 s12, s14;
	s25 =	sadd.s32 s0, s13;
	s13 =	sadd.s32 $0x128400, s1  }
0xc: {  	s26 =	sshrl.u32 s15, $0x2;
	s0 =	sadd.s32 $0x25080, s0;
	[dreg:$0x5] =	wrdreg s25  }
0xd: {  	s10 =	sshrl.u32 s10, $0x3;
	s14 =	sadd.s32 s11, s1;
	[dreg:$0x6] =	wrdreg s0  }
0xe: {  	s25 =	smax.u32 s12, $0x1;
	s8 =	sadd.s32 s10, s8;
	s10 =	sadd.s32 s26, s2  }
0xf: {  	s11 =	smul.u32 $0x14000, s3;
	[dreg:$0x12] =	wrdreg s25;
	s28 =	sadd.s32 $0x1000, s10  }
0x10: {  	s12 =	simm.s32 $0x1;
	s29 =	sadd.s32 $0x2000, s10;
	[dreg:$0x7] =	wrdreg s28  }
0x11: {  	s15 =	sadd.s32 $0x3000, s10;
	s16 =	sadd.s32 $0x4000, s10;
	[dreg:$0x8] =	wrdreg s29  }
0x12: {  	s17 =	sshrl.u32 s11, $0x3;
	s24 =	sadd.s32 $0x78A00, s8;
	[dreg:$0x9] =	wrdreg s15  }
0x13: {  	s26 =	sadd.s32 $0x5000, s10;
	s30 =	sadd.s32 $0x8000, s10;
	[dreg:$0xa] =	wrdreg s16  }
0x14: {  	s31 =	sadd.s32 $0x9000, s10;
	s8 =	simm.s32 $0x80;
	[dreg:$0x11] =	wrdreg s24  }
0x15: {  	s18 =	sadd.s32 s5, s17;
	s19 =	sadd.s32 s6, s17;
	[dreg:$0x15] =	wrdreg s26  }
0x16: {  	s20 =	sor.u32 $0x20, s17;
	s0 =	sadd.s32 s7, s17;
	[dreg:$0xb] =	wrdreg s18  }
0x17: {  	s28 =	sadd.s32 $0x6000, s10;
	s29 =	sadd.s32 $0x7000, s10;
	[dreg:$0xc] =	wrdreg s19  }
0x18: {  	s17 =	simm.s32 $0x5;
	s15 =	simm.s32 $0x180;
	[dreg:$0xf] =	wrdreg s0  }
0x19: {  	s16 =	simm.s32 $0x280;
	s24 =	simm.s32 $0x0;
	[dreg:$0x16] =	wrdreg s28  }
0x1a: {  	s21 =	sadd.s32 s5, s20;
	s22 =	sadd.s32 s6, s20;
	[dreg:$0x17] =	wrdreg s29  }
0x1b: {  	s23 =	sadd.s32 s7, s20;
	s0 =	sshrl.u32 @p1 s13, $0x3;
	[dreg:$0xd] =	wrdreg s21  }
.Ltmp0:
0x1c: {  	s19 =	simm.s32 $0x100;
	[dreg:$0xe] =	wrdreg s22;
	(pc) =	sbr.rel .LBB2_1-.Ltmp0, $4  }
0x1d: {  	s20 =	simm.s32 $0x200;
	s13 =	simm.s32 $0x4;
	[dreg:$0x10] =	wrdreg s23  }
0x1e: {  	s18 =	simm.s32 $0x300;
	[dreg:$0x13] =	wrdreg s0;
	s0 =	sshrl.u32 @!p1 s14, $0x3  }
0x1f: {  	s21 =	simm.s32 $0x20;
	s14 =	simm.s32 $0x2;
	s22 =	simm.s32 $0x3  }
0x20: {  	v0 =	vimm.f32 $0.0e+00;
	s23 =	simm.s32 $0x380;
	[dreg:$0x14] =	wrdreg s0;
	s0 =	simm.s32 $0x400  }
.LBB2_6:
0x21: {  	[tilespmem:s18], [sflag:$0x4] =	stream.linear.gather [hbm4b:s28+s4], $0x100, $0x38;
	[tilespmem:$0x1FC80] =	vst v63  }
.LBB2_10:
0x22: {  	_ =	swait.ge [sflag:s12], $0x1000  }
0x23: {  	[sflag:s12] =	ssyncset.done $0x0  }
0x24: {  	[sflag:s12] =	ssyncadd.s32 $0xFFFFF000  }
0x25: {  	[spmem:s2] =	stream.indirect.scatter.add.f32 [tilespmem:s0], [sflag:$0x5], $0x80, s19, s21, $0xb8;
	[tilespmem:$0x1FC80] =	vst v63  }
0x26: {  	_ =	swait.ge [sflag:s17], $0x1000  }
0x27: {  	[sflag:s17] =	ssyncset.done $0x0  }
0x28: {  	[sflag:s17] =	ssyncadd.s32 $0xFFFFF000  }
0x29: {  	_ =	swait.ge [sflag:s13], $0x100  }
0x2a: {  	[sflag:s13] =	ssyncset.done $0x0  }
0x2b: {  	[sflag:s13] =	ssyncadd.s32 $0xFFFFFF00  }
0x2c: {  	_ =	swait.ge [sflag:s13], $0x100  }
0x2d: {  	[sflag:s13] =	ssyncset.done $0x0  }
0x2e: {  	[sflag:s13] =	ssyncadd.s32 $0xFFFFFF00  }
0x2f: {  	[tilespmem:s0], [sflag:$0x1] =	stream.indirect.gather [spmem:s1], $0x80, s20, s21, $0xb8;
	[tilespmem:$0x1FC80] =	vst v63  }
0x30: {  	_ =	swait.ge [sflag:s14], $0x1000  }
0x31: {  	[sflag:s14] =	ssyncset.done $0x0  }
0x32: {  	[sflag:s14] =	ssyncadd.s32 $0xFFFFF000  }
0x33: {  	[spmem:s2] =	stream.indirect.scatter.add.f32 [tilespmem:s9], [sflag:$0x5], $0x80, s15, s21, $0xb8;
	[tilespmem:$0x1FC80] =	vst v63  }
0x34: {  	_ =	swait.ge [sflag:s17], $0x1000  }
0x35: {  	[sflag:s17] =	ssyncset.done $0x0  }
0x36: {  	[sflag:s17] =	ssyncadd.s32 $0xFFFFF000  }
0x37: {  	[tilespmem:s9], [sflag:$0x2] =	stream.indirect.gather [spmem:s1], $0x80, s16, s21, $0xb8;
	[tilespmem:$0x1FC80] =	vst v63  }
0x38: {  	_ =	swait.ge [sflag:s12], $0x1000  }
0x39: {  	[sflag:s12] =	ssyncset.done $0x0  }
0x3a: {  	[sflag:s12] =	ssyncadd.s32 $0xFFFFF000  }
0x3b: {  	[spmem:s2] =	stream.indirect.scatter.add.f32 [tilespmem:s0], [sflag:$0x5], $0x80, s18, s21, $0xb8;
	[tilespmem:$0x1FC80] =	vst v63  }
0x3c: {  	_ =	swait.ge [sflag:s17], $0x1000  }
0x3d: {  	[sflag:s17] =	ssyncset.done $0x0  }
0x3e: {  	[sflag:s17] =	ssyncadd.s32 $0xFFFFF000  }
0x3f: {  	_ =	swait.ge [sflag:s14], $0x1000  }
0x40: {  	[sflag:s14] =	ssyncset.done $0x0  }
0x41: {  	[sflag:s14] =	ssyncadd.s32 $0xFFFFF000  }
0x42: {  	[spmem:s2] =	stream.indirect.scatter.add.f32 [tilespmem:s9], [sflag:$0x5], $0x80, s23, s21, $0xb8;
	[tilespmem:$0x1FC80] =	vst v63  }
0x43: {  	_ =	swait.ge [sflag:s17], $0x1000  }
0x44: {  	[sflag:s17] =	ssyncset.done $0x0  }
0x45: {  	[sflag:s17] =	ssyncadd.s32 $0xFFFFF000  }
0x46: {  	s25 =	sshll.u32 s3, $0x6;
	[bflag:$0x0] =	sbarrier.arrive $0xFFFF  }
0x47: {  	s26 =	sshrl.u32 s10, $0x3;
	s25 =	sor.u32 $0x1C05, s25;
	s28 =	rddreg [dreg:$0x11]  }
0x48: {  	[hbm:s28], [sflag:s25] =	dma.local [spmem:s26], $0x1400  }
0x49: {  	_ =	swait.ge [sflag:s17], $0x1400  }
0x4a: {  	s24 =	sadd.s32 $0x1, s24;
	s29 =	rddreg [dreg:$0x12]  }
0x4b: {  	p2 =	sne.s32 s24, s29  }
.Ltmp1:
0x4c: {  	_ = 	snop;
	(pc) =	sbr.rel @!p2 .LBB2_11-.Ltmp1, $3  }
0x4d: {  	_ =	sdelay $0x1  }
0x4e: {  	[sflag:s17] =	ssyncset.done $0x0  }
0x4f: {  	[sflag:s17] =	ssyncadd.s32 $0xFFFFEC00  }
.LBB2_1:
0x50: {  	s26 =	rddreg [dreg:$0x6]  }
0x51: {  	s25 =	simm.s32 @p1 $0x1FC5;
	s28 =	rddreg [dreg:$0x13]  }
0x52: {  	[spmem:s28], [sflag:s25] =	dma.local @p1 [hbm:s26], $0x2080  }
0x53: {  	s25 =	simm.s32 @p1 $0x5  }
0x54: {  	_ =	swait.ge @p1 [sflag:s25], $0x2080  }
0x55: {  	s26 =	sshll.u32 @!p1 s3, $0x6;
	[sflag:s25] =	ssyncset.done @p1 $0x0;
	s28 =	rddreg [dreg:$0x14]  }
0x56: {  	[sflag:s25] =	ssyncadd.s32 @p1 $0xFFFFDF80;
	s25 =	sor.u32 @!p1 $0x1C05, s26;
	s26 =	rddreg [dreg:$0x5]  }
0x57: {  	[spmem:s28], [sflag:s25] =	dma.local @!p1 [hbm:s26], $0x2780  }
0x58: {  	s29 =	sand.u32 $0x3E00, s4;
	s25 =	simm.s32 @!p1 $0x5  }
0x59: {  	s28 =	sand.u32 $0x70, s4;
	s26 =	sshrl.u32 s29, $0x2;
	_ =	swait.ge @!p1 [sflag:s25], $0x2780  }
0x5a: {  	s28 =	sor.u32 s28, s26;
	[sflag:s25] =	ssyncset.done @!p1 $0x0  }
0x5b: {  	s26 =	simm.s32 $0x0;
	[sflag:s25] =	ssyncadd.s32 @!p1 $0xFFFFD880;
	s25 =	simm.s32 $0x40  }
.LBB2_2:
0x5c: {  	p2 =	sne.s32 s25, $0x3FC0  }
0x5d: {  	[tilespmem:s28+$0x400] =	vst v0;
	s26 =	sadd.s32 $0x10, s26;
	s28 =	smov.u32 s25;
	s25 =	sadd.s32 $0x40, s25  }
.Ltmp2:
0x5e: {  	(pc) =	sbr.rel @p2 .LBB2_2-.Ltmp2, $4  }
0x5f: {  	_ = 	snop  }
0x60: {  	s28 =	sand.u32 $0x3E00, s28  }
0x61: {  	s29 =	sand.u32 $0x70, s26;
	s28 =	sshrl.u32 s28, $0x2  }
0x62: {  	s28 =	sor.u32 s29, s28  }
0x63: {  	[tilespmem:s28+$0x400] =	vst v0  }
0x64: {  	[spmem:s10] =	stream.linear.scatter [tilespmem:s0], [sflag:$0x5], $0x1000, $0x38;
	[tilespmem:$0x1FC80] =	vst v63  }
0x65: {  	_ =	swait.ge [sflag:s17], $0x1000  }
0x66: {  	[sflag:s17] =	ssyncset.done $0x0  }
0x67: {  	s25 =	rddreg [dreg:$0x7];
	[sflag:s17] =	ssyncadd.s32 $0xFFFFF000  }
0x68: {  	[spmem:s25] =	stream.linear.scatter [tilespmem:s0], [sflag:$0x5], $0x1000, $0x38;
	[tilespmem:$0x1FC80] =	vst v63  }
0x69: {  	_ =	swait.ge [sflag:s17], $0x1000  }
0x6a: {  	[sflag:s17] =	ssyncset.done $0x0  }
0x6b: {  	s29 =	rddreg [dreg:$0x8];
	[sflag:s17] =	ssyncadd.s32 $0xFFFFF000  }
0x6c: {  	[spmem:s29] =	stream.linear.scatter [tilespmem:s0], [sflag:$0x5], $0x1000, $0x38;
	[tilespmem:$0x1FC80] =	vst v63  }
0x6d: {  	_ =	swait.ge [sflag:s17], $0x1000  }
0x6e: {  	[sflag:s17] =	ssyncset.done $0x0  }
0x6f: {  	s26 =	rddreg [dreg:$0x9];
	[sflag:s17] =	ssyncadd.s32 $0xFFFFF000  }
0x70: {  	[spmem:s26] =	stream.linear.scatter [tilespmem:s0], [sflag:$0x5], $0x1000, $0x38;
	[tilespmem:$0x1FC80] =	vst v63  }
0x71: {  	_ =	swait.ge [sflag:s17], $0x1000  }
0x72: {  	[sflag:s17] =	ssyncset.done $0x0  }
0x73: {  	s28 =	rddreg [dreg:$0xa];
	[sflag:s17] =	ssyncadd.s32 $0xFFFFF000  }
0x74: {  	[spmem:s28] =	stream.linear.scatter [tilespmem:s0], [sflag:$0x5], $0x1000, $0x38;
	[tilespmem:$0x1FC80] =	vst v63  }
0x75: {  	_ =	swait.ge [sflag:s17], $0x1000  }
0x76: {  	[sflag:s17] =	ssyncset.done $0x0  }
0x77: {  	s29 =	rddreg [dreg:$0x15];
	[sflag:s17] =	ssyncadd.s32 $0xFFFFF000  }
0x78: {  	[spmem:s29] =	stream.linear.scatter [tilespmem:s0], [sflag:$0x5], $0x1000, $0x38;
	[tilespmem:$0x1FC80] =	vst v63  }
0x79: {  	_ =	swait.ge [sflag:s17], $0x1000  }
0x7a: {  	[sflag:s17] =	ssyncset.done $0x0  }
0x7b: {  	s26 =	rddreg [dreg:$0x16];
	[sflag:s17] =	ssyncadd.s32 $0xFFFFF000  }
0x7c: {  	[spmem:s26] =	stream.linear.scatter [tilespmem:s0], [sflag:$0x5], $0x1000, $0x38;
	[tilespmem:$0x1FC80] =	vst v63  }
0x7d: {  	_ =	swait.ge [sflag:s17], $0x1000  }
0x7e: {  	[sflag:s17] =	ssyncset.done $0x0  }
0x7f: {  	s28 =	rddreg [dreg:$0x17];
	[sflag:s17] =	ssyncadd.s32 $0xFFFFF000  }
0x80: {  	[spmem:s28] =	stream.linear.scatter [tilespmem:s0], [sflag:$0x5], $0x1000, $0x38;
	[tilespmem:$0x1FC80] =	vst v63  }
0x81: {  	_ =	swait.ge [sflag:s17], $0x1000  }
0x82: {  	[sflag:s17] =	ssyncset.done $0x0  }
0x83: {  	[sflag:s17] =	ssyncadd.s32 $0xFFFFF000  }
0x84: {  	[spmem:s30] =	stream.linear.scatter [tilespmem:s0], [sflag:$0x5], $0x1000, $0x38;
	[tilespmem:$0x1FC80] =	vst v63  }
0x85: {  	_ =	swait.ge [sflag:s17], $0x1000  }
0x86: {  	[sflag:s17] =	ssyncset.done $0x0  }
0x87: {  	[sflag:s17] =	ssyncadd.s32 $0xFFFFF000  }
0x88: {  	[spmem:s31] =	stream.linear.scatter [tilespmem:s0], [sflag:$0x5], $0x1000, $0x38;
	[tilespmem:$0x1FC80] =	vst v63  }
0x89: {  	_ =	swait.ge [sflag:s17], $0x1000  }
0x8a: {  	[sflag:s17] =	ssyncset.done $0x0  }
0x8b: {  	[sflag:s17] =	ssyncadd.s32 $0xFFFFF000  }
0x8c: {  	[bflag:$0x0] =	sbarrier.arrive $0xFFFF  }
.Ltmp3:
0x8d: {  	s29 =	rddreg [dreg:$0xb];
	(pc) =	sbr.rel @!p0 .LBB2_4-.Ltmp3, $4  }
0x8e: {  	[tilespmem:s4], [sflag:$0x5] =	stream.linear.gather [hbm4b:s29+s4], $0x100, $0x38;
	[tilespmem:$0x1FC80] =	vst v63  }
0x8f: {  	_ =	swait.ge [sflag:s17], $0x100  }
0x90: {  	[sflag:s17] =	ssyncset.done $0x0  }
0x91: {  	[sflag:s17] =	ssyncadd.s32 $0xFFFFFF00  }
0x92: {  	s25 =	rddreg [dreg:$0xf]  }
0x93: {  	[tilespmem:s19], [sflag:$0x5] =	stream.linear.gather [hbm4b:s25+s4], $0x100, $0x38;
	[tilespmem:$0x1FC80] =	vst v63  }
0x94: {  	_ =	swait.ge [sflag:s17], $0x100  }
0x95: {  	[sflag:s17] =	ssyncset.done $0x0  }
0x96: {  	s26 =	rddreg [dreg:$0xd];
	[sflag:s17] =	ssyncadd.s32 $0xFFFFFF00  }
0x97: {  	[tilespmem:s20], [sflag:$0x4] =	stream.linear.gather [hbm4b:s26+s4], $0x100, $0x38;
	[tilespmem:$0x1FC80] =	vst v63  }
0x98: {  	s25 =	simm.s32 $0x300;
	s26 =	rddreg [dreg:$0x10]  }
0x99: {  	[tilespmem:s25], [sflag:$0x4] =	stream.linear.gather [hbm4b:s26+s4], $0x100, $0x38;
	[tilespmem:$0x1FC80] =	vst v63  }
0x9a: {  	_ = 	snop  }
0x9b: {  	[tilespmem:s0], [sflag:$0x1] =	stream.indirect.gather [spmem:s1], $0x80, s4, s21, $0xb8;
	[tilespmem:$0x1FC80] =	vst v63  }
0x9c: {  	_ = 	snop  }
0x9d: {  	[tilespmem:s9], [sflag:$0x2] =	stream.indirect.gather [spmem:s1], $0x80, s8, s21, $0xb8;
	[tilespmem:$0x1FC80] =	vst v63  }
0x9e: {  	_ =	swait.ge [sflag:s12], $0x1000  }
0x9f: {  	[sflag:s12] =	ssyncset.done $0x0  }
0xa0: {  	[sflag:s12] =	ssyncadd.s32 $0xFFFFF000  }
0xa1: {  	[spmem:s2] =	stream.indirect.scatter.add.f32 [tilespmem:s0], [sflag:$0x5], $0x80, s19, s21, $0xb8;
	[tilespmem:$0x1FC80] =	vst v63  }
0xa2: {  	_ =	swait.ge [sflag:s17], $0x1000  }
0xa3: {  	[sflag:s17] =	ssyncset.done $0x0  }
0xa4: {  	[sflag:s17] =	ssyncadd.s32 $0xFFFFF000  }
0xa5: {  	_ =	swait.ge [sflag:s13], $0x100  }
0xa6: {  	[sflag:s13] =	ssyncset.done $0x0  }
0xa7: {  	[sflag:s13] =	ssyncadd.s32 $0xFFFFFF00  }
0xa8: {  	_ =	swait.ge [sflag:s13], $0x100  }
0xa9: {  	[sflag:s13] =	ssyncset.done $0x0  }
0xaa: {  	[sflag:s13] =	ssyncadd.s32 $0xFFFFFF00  }
0xab: {  	[tilespmem:s0], [sflag:$0x1] =	stream.indirect.gather [spmem:s1], $0x80, s20, s21, $0xb8;
	[tilespmem:$0x1FC80] =	vst v63  }
0xac: {  	_ =	swait.ge [sflag:s14], $0x1000  }
0xad: {  	s29 =	simm.s32 $0x200;
	[sflag:s14] =	ssyncset.done $0x0  }
0xae: {  	s28 =	sand.u32 $0x3FC00, s29;
	[sflag:s14] =	ssyncadd.s32 $0xFFFFF000  }
0xaf: {  	[spmem:s2] =	stream.indirect.scatter.add.f32 [tilespmem:s9], [sflag:$0x5], $0x80, s15, s21, $0xb8;
	[tilespmem:$0x1FC80] =	vst v63  }
0xb0: {  	s28 =	sadd.s32 s11, s28;
	s26 =	sand.u32 $0x200, s29;
	_ =	swait.ge [sflag:s17], $0x1000  }
0xb1: {  	s26 =	sor.u32 s26, s28;
	[sflag:s17] =	ssyncset.done $0x0  }
0xb2: {  	s26 =	sshrl.u32 s26, $0x3;
	[sflag:s17] =	ssyncadd.s32 $0xFFFFF000  }
0xb3: {  	[tilespmem:s9], [sflag:$0x2] =	stream.indirect.gather [spmem:s1], $0x80, s16, s21, $0xb8;
	[tilespmem:$0x1FC80] =	vst v63  }
0xb4: {  	s28 =	sadd.s32 s5, s26  }
0xb5: {  	[tilespmem:s4], [sflag:$0x3] =	stream.linear.gather [hbm4b:s28+s4], $0x100, $0x38;
	[tilespmem:$0x1FC80] =	vst v63  }
0xb6: {  	s26 =	sadd.s32 s7, s26  }
0xb7: {  	[tilespmem:s19], [sflag:$0x3] =	stream.linear.gather [hbm4b:s26+s4], $0x100, $0x38;
	[tilespmem:$0x1FC80] =	vst v63  }
0xb8: {  	_ =	swait.ge [sflag:s12], $0x1000  }
0xb9: {  	[sflag:s12] =	ssyncset.done $0x0  }
0xba: {  	[sflag:s12] =	ssyncadd.s32 $0xFFFFF000  }
0xbb: {  	[spmem:s2] =	stream.indirect.scatter.add.f32 [tilespmem:s0], [sflag:$0x5], $0x80, s18, s21, $0xb8;
	[tilespmem:$0x1FC80] =	vst v63  }
0xbc: {  	_ =	swait.ge [sflag:s17], $0x1000  }
0xbd: {  	[sflag:s17] =	ssyncset.done $0x0  }
0xbe: {  	[sflag:s17] =	ssyncadd.s32 $0xFFFFF000  }
0xbf: {  	_ =	swait.ge [sflag:s22], $0x100  }
0xc0: {  	[sflag:s22] =	ssyncset.done $0x0  }
0xc1: {  	[sflag:s22] =	ssyncadd.s32 $0xFFFFFF00  }
0xc2: {  	_ =	swait.ge [sflag:s22], $0x100  }
0xc3: {  	[sflag:s22] =	ssyncset.done $0x0  }
0xc4: {  	[sflag:s22] =	ssyncadd.s32 $0xFFFFFF00  }
0xc5: {  	[tilespmem:s0], [sflag:$0x1] =	stream.indirect.gather [spmem:s1], $0x80, s4, s21, $0xb8;
	[tilespmem:$0x1FC80] =	vst v63  }
0xc6: {  	_ =	swait.ge [sflag:s14], $0x1000  }
0xc7: {  	[sflag:s14] =	ssyncset.done $0x0  }
0xc8: {  	s29 =	sand.u32 $0x3FC00, s25;
	[sflag:s14] =	ssyncadd.s32 $0xFFFFF000  }
0xc9: {  	[spmem:s2] =	stream.indirect.scatter.add.f32 [tilespmem:s9], [sflag:$0x5], $0x80, s23, s21, $0xb8;
	[tilespmem:$0x1FC80] =	vst v63  }
0xca: {  	s25 =	sand.u32 $0x300, s25;
	s26 =	sadd.s32 s11, s29;
	_ =	swait.ge [sflag:s17], $0x1000  }
0xcb: {  	s25 =	sor.u32 s25, s26;
	[sflag:s17] =	ssyncset.done $0x0  }
0xcc: {  	s26 =	sshrl.u32 s25, $0x3;
	[sflag:s17] =	ssyncadd.s32 $0xFFFFF000  }
0xcd: {  	[tilespmem:s9], [sflag:$0x2] =	stream.indirect.gather [spmem:s1], $0x80, s8, s21, $0xb8;
	[tilespmem:$0x1FC80] =	vst v63  }
0xce: {  	s25 =	sadd.s32 s5, s26  }
0xcf: {  	[tilespmem:s20], [sflag:$0x4] =	stream.linear.gather [hbm4b:s25+s4], $0x100, $0x38;
	[tilespmem:$0x1FC80] =	vst v63  }
0xd0: {  	s28 =	sadd.s32 s7, s26;
	s25 =	simm.s32 $0x500  }
.LBB2_8:
0xd1: {  	p2 =	sne.s32 s25, $0x13F00;
	s26 =	smov.u32 s25;
	s25 =	sadd.s32 $0x200, s25  }
0xd2: {  	[tilespmem:s18], [sflag:$0x4] =	stream.linear.gather [hbm4b:s28+s4], $0x100, $0x38;
	[tilespmem:$0x1FC80] =	vst v63  }
0xd3: {  	_ =	swait.ge [sflag:s12], $0x1000  }
0xd4: {  	[sflag:s12] =	ssyncset.done $0x0  }
0xd5: {  	[sflag:s12] =	ssyncadd.s32 $0xFFFFF000  }
0xd6: {  	[spmem:s2] =	stream.indirect.scatter.add.f32 [tilespmem:s0], [sflag:$0x5], $0x80, s19, s21, $0xb8;
	[tilespmem:$0x1FC80] =	vst v63  }
0xd7: {  	_ =	swait.ge [sflag:s17], $0x1000  }
0xd8: {  	[sflag:s17] =	ssyncset.done $0x0  }
0xd9: {  	[sflag:s17] =	ssyncadd.s32 $0xFFFFF000  }
0xda: {  	_ =	swait.ge [sflag:s13], $0x100  }
0xdb: {  	[sflag:s13] =	ssyncset.done $0x0  }
0xdc: {  	[sflag:s13] =	ssyncadd.s32 $0xFFFFFF00  }
0xdd: {  	_ =	swait.ge [sflag:s13], $0x100  }
0xde: {  	[sflag:s13] =	ssyncset.done $0x0  }
0xdf: {  	[sflag:s13] =	ssyncadd.s32 $0xFFFFFF00  }
0xe0: {  	[tilespmem:s0], [sflag:$0x1] =	stream.indirect.gather [spmem:s1], $0x80, s20, s21, $0xb8;
	[tilespmem:$0x1FC80] =	vst v63  }
0xe1: {  	_ =	swait.ge [sflag:s14], $0x1000  }
0xe2: {  	s28 =	sadd.s32 $0xFFFFFF00, s26;
	[sflag:s14] =	ssyncset.done $0x0  }
0xe3: {  	s29 =	sand.u32 $0x3FC00, s28;
	[sflag:s14] =	ssyncadd.s32 $0xFFFFF000  }
0xe4: {  	[spmem:s2] =	stream.indirect.scatter.add.f32 [tilespmem:s9], [sflag:$0x5], $0x80, s15, s21, $0xb8;
	[tilespmem:$0x1FC80] =	vst v63  }
0xe5: {  	s28 =	sand.u32 $0x200, s28;
	s29 =	sadd.s32 s11, s29;
	_ =	swait.ge [sflag:s17], $0x1000  }
0xe6: {  	s28 =	sor.u32 s28, s29;
	[sflag:s17] =	ssyncset.done $0x0  }
0xe7: {  	s28 =	sshrl.u32 s28, $0x3;
	[sflag:s17] =	ssyncadd.s32 $0xFFFFF000  }
0xe8: {  	[tilespmem:s9], [sflag:$0x2] =	stream.indirect.gather [spmem:s1], $0x80, s16, s21, $0xb8;
	[tilespmem:$0x1FC80] =	vst v63  }
0xe9: {  	s29 =	sadd.s32 s5, s28;
	s28 =	sadd.s32 s7, s28  }
0xea: {  	[tilespmem:s4], [sflag:$0x3] =	stream.linear.gather [hbm4b:s29+s4], $0x100, $0x38;
	[tilespmem:$0x1FC80] =	vst v63  }
0xeb: {  	_ = 	snop  }
0xec: {  	[tilespmem:s19], [sflag:$0x3] =	stream.linear.gather [hbm4b:s28+s4], $0x100, $0x38;
	[tilespmem:$0x1FC80] =	vst v63  }
0xed: {  	_ =	swait.ge [sflag:s12], $0x1000  }
0xee: {  	[sflag:s12] =	ssyncset.done $0x0  }
0xef: {  	[sflag:s12] =	ssyncadd.s32 $0xFFFFF000  }
0xf0: {  	[spmem:s2] =	stream.indirect.scatter.add.f32 [tilespmem:s0], [sflag:$0x5], $0x80, s18, s21, $0xb8;
	[tilespmem:$0x1FC80] =	vst v63  }
0xf1: {  	_ =	swait.ge [sflag:s17], $0x1000  }
0xf2: {  	[sflag:s17] =	ssyncset.done $0x0  }
0xf3: {  	[sflag:s17] =	ssyncadd.s32 $0xFFFFF000  }
0xf4: {  	_ =	swait.ge [sflag:s22], $0x100  }
0xf5: {  	[sflag:s22] =	ssyncset.done $0x0  }
0xf6: {  	[sflag:s22] =	ssyncadd.s32 $0xFFFFFF00  }
0xf7: {  	_ =	swait.ge [sflag:s22], $0x100  }
0xf8: {  	[sflag:s22] =	ssyncset.done $0x0  }
0xf9: {  	[sflag:s22] =	ssyncadd.s32 $0xFFFFFF00  }
0xfa: {  	[tilespmem:s0], [sflag:$0x1] =	stream.indirect.gather [spmem:s1], $0x80, s4, s21, $0xb8;
	[tilespmem:$0x1FC80] =	vst v63  }
0xfb: {  	_ =	swait.ge [sflag:s14], $0x1000  }
0xfc: {  	[sflag:s14] =	ssyncset.done $0x0  }
0xfd: {  	s28 =	sand.u32 $0x3FC00, s26;
	[sflag:s14] =	ssyncadd.s32 $0xFFFFF000  }
0xfe: {  	[spmem:s2] =	stream.indirect.scatter.add.f32 [tilespmem:s9], [sflag:$0x5], $0x80, s23, s21, $0xb8;
	[tilespmem:$0x1FC80] =	vst v63  }
0xff: {  	s26 =	sand.u32 $0x300, s26;
	s28 =	sadd.s32 s11, s28;
	_ =	swait.ge [sflag:s17], $0x1000  }
.Ltmp4:
0x100: {  	s26 =	sor.u32 s26, s28;
	[sflag:s17] =	ssyncset.done $0x0;
	(pc) =	sbr.rel @p2 .LBB2_8-.Ltmp4, $4  }
0x101: {  	s26 =	sshrl.u32 s26, $0x3;
	[sflag:s17] =	ssyncadd.s32 $0xFFFFF000  }
0x102: {  	[tilespmem:s9], [sflag:$0x2] =	stream.indirect.gather [spmem:s1], $0x80, s8, s21, $0xb8;
	[tilespmem:$0x1FC80] =	vst v63  }
0x103: {  	s29 =	sadd.s32 s5, s26;
	s28 =	sadd.s32 s7, s26  }
0x104: {  	[tilespmem:s20], [sflag:$0x4] =	stream.linear.gather [hbm4b:s29+s4], $0x100, $0x38;
	[tilespmem:$0x1FC80] =	vst v63  }
.Ltmp5:
0x105: {  	(pc) =	sbr.rel .LBB2_10-.Ltmp5, $2  }
0x106: {  	_ =	sdelay $0x2  }
0x107: {  	[tilespmem:s18], [sflag:$0x4] =	stream.linear.gather [hbm4b:s28+s4], $0x100, $0x38;
	[tilespmem:$0x1FC80] =	vst v63  }
.LBB2_4:
0x108: {  	s25 =	rddreg [dreg:$0xc]  }
0x109: {  	[tilespmem:s19], [sflag:$0x5] =	stream.linear.gather [hbm4b:s25+s4], $0x100, $0x38;
	[tilespmem:$0x1FC80] =	vst v63  }
0x10a: {  	_ =	swait.ge [sflag:s17], $0x100  }
0x10b: {  	[sflag:s17] =	ssyncset.done $0x0  }
0x10c: {  	s26 =	rddreg [dreg:$0xd];
	[sflag:s17] =	ssyncadd.s32 $0xFFFFFF00  }
0x10d: {  	[tilespmem:s20], [sflag:$0x4] =	stream.linear.gather [hbm4b:s26+s4], $0x100, $0x38;
	[tilespmem:$0x1FC80] =	vst v63  }
0x10e: {  	s25 =	simm.s32 $0x300;
	s26 =	rddreg [dreg:$0xe]  }
0x10f: {  	[tilespmem:s25], [sflag:$0x4] =	stream.linear.gather [hbm4b:s26+s4], $0x100, $0x38;
	[tilespmem:$0x1FC80] =	vst v63  }
0x110: {  	_ = 	snop  }
0x111: {  	[tilespmem:s0], [sflag:$0x1] =	stream.indirect.gather [spmem:s1], $0x80, s4, s21, $0xb8;
	[tilespmem:$0x1FC80] =	vst v63  }
0x112: {  	_ = 	snop  }
0x113: {  	[tilespmem:s9], [sflag:$0x2] =	stream.indirect.gather [spmem:s1], $0x80, s8, s21, $0xb8;
	[tilespmem:$0x1FC80] =	vst v63  }
0x114: {  	_ =	swait.ge [sflag:s12], $0x1000  }
0x115: {  	[sflag:s12] =	ssyncset.done $0x0  }
0x116: {  	[sflag:s12] =	ssyncadd.s32 $0xFFFFF000  }
0x117: {  	[spmem:s2] =	stream.indirect.scatter.add.f32 [tilespmem:s0], [sflag:$0x5], $0x80, s19, s21, $0xb8;
	[tilespmem:$0x1FC80] =	vst v63  }
0x118: {  	_ =	swait.ge [sflag:s17], $0x1000  }
0x119: {  	[sflag:s17] =	ssyncset.done $0x0  }
0x11a: {  	[sflag:s17] =	ssyncadd.s32 $0xFFFFF000  }
0x11b: {  	_ =	swait.ge [sflag:s13], $0x100  }
0x11c: {  	[sflag:s13] =	ssyncset.done $0x0  }
0x11d: {  	[sflag:s13] =	ssyncadd.s32 $0xFFFFFF00  }
0x11e: {  	_ =	swait.ge [sflag:s13], $0x100  }
0x11f: {  	[sflag:s13] =	ssyncset.done $0x0  }
0x120: {  	[sflag:s13] =	ssyncadd.s32 $0xFFFFFF00  }
0x121: {  	[tilespmem:s0], [sflag:$0x1] =	stream.indirect.gather [spmem:s1], $0x80, s20, s21, $0xb8;
	[tilespmem:$0x1FC80] =	vst v63  }
0x122: {  	_ =	swait.ge [sflag:s14], $0x1000  }
0x123: {  	s29 =	simm.s32 $0x200;
	[sflag:s14] =	ssyncset.done $0x0  }
0x124: {  	s28 =	sand.u32 $0x3FC00, s29;
	[sflag:s14] =	ssyncadd.s32 $0xFFFFF000  }
0x125: {  	[spmem:s2] =	stream.indirect.scatter.add.f32 [tilespmem:s9], [sflag:$0x5], $0x80, s15, s21, $0xb8;
	[tilespmem:$0x1FC80] =	vst v63  }
0x126: {  	s28 =	sadd.s32 s11, s28;
	s26 =	sand.u32 $0x200, s29;
	_ =	swait.ge [sflag:s17], $0x1000  }
0x127: {  	s26 =	sor.u32 s26, s28;
	[sflag:s17] =	ssyncset.done $0x0  }
0x128: {  	s26 =	sshrl.u32 s26, $0x3;
	[sflag:s17] =	ssyncadd.s32 $0xFFFFF000  }
0x129: {  	[tilespmem:s9], [sflag:$0x2] =	stream.indirect.gather [spmem:s1], $0x80, s16, s21, $0xb8;
	[tilespmem:$0x1FC80] =	vst v63  }
0x12a: {  	s28 =	sadd.s32 s5, s26  }
0x12b: {  	[tilespmem:s4], [sflag:$0x3] =	stream.linear.gather [hbm4b:s28+s4], $0x100, $0x38;
	[tilespmem:$0x1FC80] =	vst v63  }
0x12c: {  	s26 =	sadd.s32 s6, s26  }
0x12d: {  	[tilespmem:s19], [sflag:$0x3] =	stream.linear.gather [hbm4b:s26+s4], $0x100, $0x38;
	[tilespmem:$0x1FC80] =	vst v63  }
0x12e: {  	_ =	swait.ge [sflag:s12], $0x1000  }
0x12f: {  	[sflag:s12] =	ssyncset.done $0x0  }
0x130: {  	[sflag:s12] =	ssyncadd.s32 $0xFFFFF000  }
0x131: {  	[spmem:s2] =	stream.indirect.scatter.add.f32 [tilespmem:s0], [sflag:$0x5], $0x80, s18, s21, $0xb8;
	[tilespmem:$0x1FC80] =	vst v63  }
0x132: {  	_ =	swait.ge [sflag:s17], $0x1000  }
0x133: {  	[sflag:s17] =	ssyncset.done $0x0  }
0x134: {  	[sflag:s17] =	ssyncadd.s32 $0xFFFFF000  }
0x135: {  	_ =	swait.ge [sflag:s22], $0x100  }
0x136: {  	[sflag:s22] =	ssyncset.done $0x0  }
0x137: {  	[sflag:s22] =	ssyncadd.s32 $0xFFFFFF00  }
0x138: {  	_ =	swait.ge [sflag:s22], $0x100  }
0x139: {  	[sflag:s22] =	ssyncset.done $0x0  }
0x13a: {  	[sflag:s22] =	ssyncadd.s32 $0xFFFFFF00  }
0x13b: {  	[tilespmem:s0], [sflag:$0x1] =	stream.indirect.gather [spmem:s1], $0x80, s4, s21, $0xb8;
	[tilespmem:$0x1FC80] =	vst v63  }
0x13c: {  	_ =	swait.ge [sflag:s14], $0x1000  }
0x13d: {  	[sflag:s14] =	ssyncset.done $0x0  }
0x13e: {  	s29 =	sand.u32 $0x3FC00, s25;
	[sflag:s14] =	ssyncadd.s32 $0xFFFFF000  }
0x13f: {  	[spmem:s2] =	stream.indirect.scatter.add.f32 [tilespmem:s9], [sflag:$0x5], $0x80, s23, s21, $0xb8;
	[tilespmem:$0x1FC80] =	vst v63  }
0x140: {  	s25 =	sand.u32 $0x300, s25;
	s26 =	sadd.s32 s11, s29;
	_ =	swait.ge [sflag:s17], $0x1000  }
0x141: {  	s25 =	sor.u32 s25, s26;
	[sflag:s17] =	ssyncset.done $0x0  }
0x142: {  	s26 =	sshrl.u32 s25, $0x3;
	[sflag:s17] =	ssyncadd.s32 $0xFFFFF000  }
0x143: {  	[tilespmem:s9], [sflag:$0x2] =	stream.indirect.gather [spmem:s1], $0x80, s8, s21, $0xb8;
	[tilespmem:$0x1FC80] =	vst v63  }
0x144: {  	s25 =	sadd.s32 s5, s26  }
0x145: {  	[tilespmem:s20], [sflag:$0x4] =	stream.linear.gather [hbm4b:s25+s4], $0x100, $0x38;
	[tilespmem:$0x1FC80] =	vst v63  }
0x146: {  	s28 =	sadd.s32 s6, s26;
	s25 =	simm.s32 $0x500  }
.LBB2_5:
0x147: {  	p2 =	seq.s32 s25, $0x13F00;
	s26 =	smov.u32 s25;
	s25 =	sadd.s32 $0x200, s25  }
0x148: {  	[tilespmem:s18], [sflag:$0x4] =	stream.linear.gather [hbm4b:s28+s4], $0x100, $0x38;
	[tilespmem:$0x1FC80] =	vst v63  }
0x149: {  	_ =	swait.ge [sflag:s12], $0x1000  }
0x14a: {  	[sflag:s12] =	ssyncset.done $0x0  }
0x14b: {  	[sflag:s12] =	ssyncadd.s32 $0xFFFFF000  }
0x14c: {  	[spmem:s2] =	stream.indirect.scatter.add.f32 [tilespmem:s0], [sflag:$0x5], $0x80, s19, s21, $0xb8;
	[tilespmem:$0x1FC80] =	vst v63  }
0x14d: {  	_ =	swait.ge [sflag:s17], $0x1000  }
0x14e: {  	[sflag:s17] =	ssyncset.done $0x0  }
0x14f: {  	[sflag:s17] =	ssyncadd.s32 $0xFFFFF000  }
0x150: {  	_ =	swait.ge [sflag:s13], $0x100  }
0x151: {  	[sflag:s13] =	ssyncset.done $0x0  }
0x152: {  	[sflag:s13] =	ssyncadd.s32 $0xFFFFFF00  }
0x153: {  	_ =	swait.ge [sflag:s13], $0x100  }
0x154: {  	[sflag:s13] =	ssyncset.done $0x0  }
0x155: {  	[sflag:s13] =	ssyncadd.s32 $0xFFFFFF00  }
0x156: {  	[tilespmem:s0], [sflag:$0x1] =	stream.indirect.gather [spmem:s1], $0x80, s20, s21, $0xb8;
	[tilespmem:$0x1FC80] =	vst v63  }
0x157: {  	_ =	swait.ge [sflag:s14], $0x1000  }
0x158: {  	s28 =	sadd.s32 $0xFFFFFF00, s26;
	[sflag:s14] =	ssyncset.done $0x0  }
0x159: {  	s29 =	sand.u32 $0x3FC00, s28;
	[sflag:s14] =	ssyncadd.s32 $0xFFFFF000  }
0x15a: {  	[spmem:s2] =	stream.indirect.scatter.add.f32 [tilespmem:s9], [sflag:$0x5], $0x80, s15, s21, $0xb8;
	[tilespmem:$0x1FC80] =	vst v63  }
0x15b: {  	s28 =	sand.u32 $0x200, s28;
	s29 =	sadd.s32 s11, s29;
	_ =	swait.ge [sflag:s17], $0x1000  }
0x15c: {  	s28 =	sor.u32 s28, s29;
	[sflag:s17] =	ssyncset.done $0x0  }
0x15d: {  	s28 =	sshrl.u32 s28, $0x3;
	[sflag:s17] =	ssyncadd.s32 $0xFFFFF000  }
0x15e: {  	[tilespmem:s9], [sflag:$0x2] =	stream.indirect.gather [spmem:s1], $0x80, s16, s21, $0xb8;
	[tilespmem:$0x1FC80] =	vst v63  }
0x15f: {  	s29 =	sadd.s32 s5, s28;
	s28 =	sadd.s32 s6, s28  }
0x160: {  	[tilespmem:s4], [sflag:$0x3] =	stream.linear.gather [hbm4b:s29+s4], $0x100, $0x38;
	[tilespmem:$0x1FC80] =	vst v63  }
0x161: {  	_ = 	snop  }
0x162: {  	[tilespmem:s19], [sflag:$0x3] =	stream.linear.gather [hbm4b:s28+s4], $0x100, $0x38;
	[tilespmem:$0x1FC80] =	vst v63  }
0x163: {  	_ =	swait.ge [sflag:s12], $0x1000  }
0x164: {  	[sflag:s12] =	ssyncset.done $0x0  }
0x165: {  	[sflag:s12] =	ssyncadd.s32 $0xFFFFF000  }
0x166: {  	[spmem:s2] =	stream.indirect.scatter.add.f32 [tilespmem:s0], [sflag:$0x5], $0x80, s18, s21, $0xb8;
	[tilespmem:$0x1FC80] =	vst v63  }
0x167: {  	_ =	swait.ge [sflag:s17], $0x1000  }
0x168: {  	[sflag:s17] =	ssyncset.done $0x0  }
0x169: {  	[sflag:s17] =	ssyncadd.s32 $0xFFFFF000  }
0x16a: {  	_ =	swait.ge [sflag:s22], $0x100  }
0x16b: {  	[sflag:s22] =	ssyncset.done $0x0  }
0x16c: {  	[sflag:s22] =	ssyncadd.s32 $0xFFFFFF00  }
0x16d: {  	_ =	swait.ge [sflag:s22], $0x100  }
0x16e: {  	[sflag:s22] =	ssyncset.done $0x0  }
0x16f: {  	[sflag:s22] =	ssyncadd.s32 $0xFFFFFF00  }
0x170: {  	[tilespmem:s0], [sflag:$0x1] =	stream.indirect.gather [spmem:s1], $0x80, s4, s21, $0xb8;
	[tilespmem:$0x1FC80] =	vst v63  }
0x171: {  	_ =	swait.ge [sflag:s14], $0x1000  }
0x172: {  	[sflag:s14] =	ssyncset.done $0x0  }
0x173: {  	s28 =	sand.u32 $0x3FC00, s26;
	[sflag:s14] =	ssyncadd.s32 $0xFFFFF000  }
0x174: {  	[spmem:s2] =	stream.indirect.scatter.add.f32 [tilespmem:s9], [sflag:$0x5], $0x80, s23, s21, $0xb8;
	[tilespmem:$0x1FC80] =	vst v63  }
0x175: {  	s26 =	sand.u32 $0x300, s26;
	s28 =	sadd.s32 s11, s28;
	_ =	swait.ge [sflag:s17], $0x1000  }
.Ltmp6:
0x176: {  	s26 =	sor.u32 s26, s28;
	[sflag:s17] =	ssyncset.done $0x0;
	(pc) =	sbr.rel @!p2 .LBB2_5-.Ltmp6, $4  }
0x177: {  	s26 =	sshrl.u32 s26, $0x3;
	[sflag:s17] =	ssyncadd.s32 $0xFFFFF000  }
0x178: {  	[tilespmem:s9], [sflag:$0x2] =	stream.indirect.gather [spmem:s1], $0x80, s8, s21, $0xb8;
	[tilespmem:$0x1FC80] =	vst v63  }
0x179: {  	s29 =	sadd.s32 s5, s26;
	s28 =	sadd.s32 s6, s26  }
0x17a: {  	[tilespmem:s20], [sflag:$0x4] =	stream.linear.gather [hbm4b:s29+s4], $0x100, $0x38;
	[tilespmem:$0x1FC80] =	vst v63  }
.Ltmp7:
0x17b: {  	_ = 	snop;
	(pc) =	sbr.rel .LBB2_6-.Ltmp7, $1  }
0x17c: {  	_ =	sdelay $0x3  }
.LBB2_11:
0x17d: {  	_ =	sfence.sel $0x180000  }
0x17e: {  	[bflag:$0x0] =	sbarrier.arrive $0xFFFF  }
0x17f: {  	_ =	strace $0x90000047  }
0x180: {  	[bflag:$0x2] =	sbarrier.arrive $0xFFFF  }
0x181: {  	p0 =	sne.s32 s3, $0x0;
	s0 =	rddreg [dreg:$0x4]  }
0x182: {  	s0 =	sadd.s32 @!p0 $0x100000, s0  }
0x183: {  	[sflag:s0] =	ssyncadd.tile.s32 @!p0 $0x1;
	_ =	shalt  }
.Lfunc_end2:
_tile_overlayer_lowered:
.L_overlay_start_2:
0x184: {  	(tag) =	ssettag $0x2  }
0x185: {  	s0 =	rddreg [dreg:$0x0];
	s2 =	stileid.u32  }
0x186: {  	s1 =	rddreg [dreg:$0x1];
	p0 =	sne.s32 s2, $0x0  }
0x187: {  	s3 =	rddreg [dreg:$0x2];
	[bflag:$0x3] =	sbarrier.arrive $0xFFFF;
	s2 =	simm.s32 @!p0 $0x1C05  }
0x188: {  	[timem:s3], [sflag:s2] =	dma.local @!p0 [hbm:s0], s1  }
0x189: {  	s0 =	simm.s32 @!p0 $0x5  }
0x18a: {  	_ =	swait.ge @!p0 [sflag:s0], s1  }
0x18b: {  	s1 =	ssub.s32 @!p0 $0x0, s1;
	[sflag:s0] =	ssyncset.done @!p0 $0x0  }
0x18c: {  	[sflag:s0] =	ssyncadd.s32 @!p0 s1  }
0x18d: {  	[bflag:$0x3] =	sbarrier.arrive $0xFFFF  }
0x18e: {  	_ =	shalt  }

</sc_bundles>
